<compile_context>
chip_gen: v7x
topology: tpu7x:2x2x1
jax: 0.10.2.dev20260603
libtpu: 0.0.44.dev20260713+nightly
codegen_flags: <defaults>
</compile_context>

<pallas_src>
import functools

import jax
import jax.numpy as jnp
from jax import lax
from jax.experimental import pallas as pl
from jax.experimental.pallas import tpu as pltpu
from jax.experimental.pallas import tpu_sc as plsc

N = 10000
E = 320000
IN_DIM = 128
HID = 256
OUT_DIM = 6

NC = 2
NS = 16
P = 10240
RPT = P // NS
R = 400
NB = N // R

EP = 327680
CH = 64
ECR = EP // CH
EPRG = ECR
EPC_ROWS = ECR // NS
KS = 64
DEG_ROWS = ECR // (NC * NS)

_mesh = plsc.VectorSubcoreMesh(
    core_axis_name="c", subcore_axis_name="s", num_cores=NC, num_subcores=NS)



def _deg_body(dst2_hbm, deg_hbm, idx_v, ones_v, z_v, acc):
    c = lax.axis_index("c")
    s = lax.axis_index("s")
    r0 = s * RPT

    def _fill(i, _):
        z_v[pl.ds(i * 16, 16)] = jnp.zeros((16,), jnp.float32)
        ones_v[pl.ds((i % (CH // 16)) * 16, 16)] = jnp.ones((16,), jnp.float32)
        return 0
    lax.fori_loop(0, RPT // 16, _fill, 0)

    pltpu.sync_copy(z_v, acc.at[pl.ds(r0, RPT)])
    plsc.subcore_barrier()

    row0 = (c * NS + s) * DEG_ROWS
    pltpu.sync_copy(dst2_hbm.at[pl.ds(row0, DEG_ROWS)], idx_v)

    def _edges(j, _):
        pltpu.sync_copy(ones_v, acc.at[idx_v.at[j]], add=True)
        return 0
    lax.fori_loop(0, DEG_ROWS, _edges, 0)
    plsc.subcore_barrier()

    @pl.when(s == 0)
    def _():
        pltpu.sync_copy(acc, deg_hbm.at[pl.ds(c * P, P)])


_deg_call = functools.partial(
    pl.kernel,
    out_type=jax.ShapeDtypeStruct((NC * P,), jnp.float32),
    mesh=_mesh,
    scratch_types=[
        pltpu.VMEM((DEG_ROWS, CH), jnp.int32),
        pltpu.VMEM((CH,), jnp.float32),
        pltpu.VMEM((RPT,), jnp.float32),
        pltpu.VMEM_SHARED((P,), jnp.float32),
    ],
)(_deg_body)



def _edge_body(u_hbm, srcg_hbm, dst2_hbm, out_hbm, sidx, didx,
               b0, b1, b2, b3, acc,
               g0, g1, g2, g3, s0, s1, s2, s3):
    c = lax.axis_index("c")
    s = lax.axis_index("s")
    r0 = s * RPT
    pltpu.sync_copy(u_hbm.at[pl.ds(c * P + r0, RPT)], acc.at[pl.ds(r0, RPT)])
    plsc.subcore_barrier()

    bufs = (b0, b1, b2, b3)
    gsems = (g0, g1, g2, g3)
    ssems = (s0, s1, s2, s3)
    nquad = KS // 4

    def _wait_g(p):
        pltpu.make_async_copy(u_hbm.at[sidx.at[0]], bufs[p], gsems[p]).wait()

    def _wait_s(p):
        pltpu.make_async_copy(bufs[p], acc.at[didx.at[0]], ssems[p]).wait()

    def _block(blk, _):
        er0 = s * EPC_ROWS + blk * KS
        pltpu.sync_copy(srcg_hbm.at[pl.ds(c * EPRG + er0, KS)], sidx)
        pltpu.sync_copy(dst2_hbm.at[pl.ds(er0, KS)], didx)
        pltpu.async_copy(u_hbm.at[sidx.at[0]], b0, g0)
        pltpu.async_copy(u_hbm.at[sidx.at[1]], b1, g1)
        pltpu.async_copy(u_hbm.at[sidx.at[2]], b2, g2)

        def _quad(q, _):
            j = 4 * q
            for p in range(4):
                _wait_g(p)
                pltpu.async_copy(bufs[p], acc.at[didx.at[j + p]],
                                 ssems[p], add=True)
                pq = (p + 3) % 4
                if p == 0:
                    @pl.when(q > 0)
                    def _():
                        _wait_s(pq)
                    pltpu.async_copy(u_hbm.at[sidx.at[j + p + 3]],
                                     bufs[pq], gsems[pq])
                else:
                    _wait_s(pq)

                    @pl.when(q < nquad - 1)
                    def _():
                        pltpu.async_copy(u_hbm.at[sidx.at[j + p + 3]],
                                         bufs[pq], gsems[pq])
            return 0
        lax.fori_loop(0, nquad, _quad, 0)
        _wait_s(3)
        return 0
    lax.fori_loop(0, EPC_ROWS // KS, _block, 0)
    plsc.subcore_barrier()

    pltpu.sync_copy(acc.at[pl.ds(r0, RPT)], out_hbm.at[pl.ds(c * P + r0, RPT)])


_edge_call = functools.partial(
    pl.kernel,
    out_type=jax.ShapeDtypeStruct((NC * P, 128), jnp.float32),
    mesh=_mesh,
    scratch_types=[
        pltpu.VMEM((KS, CH), jnp.int32),
        pltpu.VMEM((KS, CH), jnp.int32),
        pltpu.VMEM((CH, 128), jnp.float32),
        pltpu.VMEM((CH, 128), jnp.float32),
        pltpu.VMEM((CH, 128), jnp.float32),
        pltpu.VMEM((CH, 128), jnp.float32),
        pltpu.VMEM_SHARED((P, 128), jnp.float32),
        pltpu.SemaphoreType.DMA,
        pltpu.SemaphoreType.DMA,
        pltpu.SemaphoreType.DMA,
        pltpu.SemaphoreType.DMA,
        pltpu.SemaphoreType.DMA,
        pltpu.SemaphoreType.DMA,
        pltpu.SemaphoreType.DMA,
        pltpu.SemaphoreType.DMA,
    ],
)(_edge_body)



def _mm1_body(x_ref, w_ref, o_ref):
    o_ref[0] = jnp.dot(x_ref[...], w_ref[...],
                       preferred_element_type=jnp.float32)


_mm1 = pl.pallas_call(
    _mm1_body,
    grid=(2, NB),
    in_specs=[
        pl.BlockSpec((R, IN_DIM), lambda h, i: (i, 0)),
        pl.BlockSpec((IN_DIM, 128), lambda h, i: (0, h)),
    ],
    out_specs=pl.BlockSpec((1, R, 128), lambda h, i: (h, i, 0)),
    out_shape=jax.ShapeDtypeStruct((2, P, 128), jnp.float32),
)


def _dinv_body(deg_ref, o_ref):
    o_ref[...] = lax.rsqrt(deg_ref[0] + deg_ref[1] + 1.0)


_dinv = pl.pallas_call(
    _dinv_body,
    grid=(NB,),
    in_specs=[pl.BlockSpec((2, R, 1), lambda i: (0, i, 0))],
    out_specs=pl.BlockSpec((R, 1), lambda i: (i, 0)),
    out_shape=jax.ShapeDtypeStruct((P, 1), jnp.float32),
)


def _scale_body(xw_ref, dinv_ref, o_ref):
    o_ref[0] = xw_ref[0] * dinv_ref[...]


_scale = pl.pallas_call(
    _scale_body,
    grid=(2, NB),
    in_specs=[
        pl.BlockSpec((1, R, 128), lambda h, i: (h, i, 0)),
        pl.BlockSpec((R, 1), lambda h, i: (i, 0)),
    ],
    out_specs=pl.BlockSpec((1, R, 128), lambda h, i: (h, i, 0)),
    out_shape=jax.ShapeDtypeStruct((2, P, 128), jnp.float32),
)


def _layer2_body(agg_ref, dinv_ref, b_ref, w_ref, o_ref):
    dinv = dinv_ref[...]
    hcat = jnp.concatenate([agg_ref[0], agg_ref[1]], axis=1)
    h = jnp.maximum(hcat * dinv + b_ref[...], 0.0)
    o_ref[0] = jnp.dot(h, w_ref[...],
                       preferred_element_type=jnp.float32) * dinv


_layer2 = pl.pallas_call(
    _layer2_body,
    grid=(2, NB),
    in_specs=[
        pl.BlockSpec((2, R, 128), lambda h, i: (0, i, 0)),
        pl.BlockSpec((R, 1), lambda h, i: (i, 0)),
        pl.BlockSpec((1, HID), lambda h, i: (0, 0)),
        pl.BlockSpec((HID, 128), lambda h, i: (0, h)),
    ],
    out_specs=pl.BlockSpec((1, R, 128), lambda h, i: (h, i, 0)),
    out_shape=jax.ShapeDtypeStruct((2, P, 128), jnp.float32),
)


def _out_body(agg_ref, dinv_ref, b2_ref, w3_ref, b3_ref, o_ref):
    dinv = dinv_ref[...]
    hcat = jnp.concatenate([agg_ref[0], agg_ref[1]], axis=1)
    h = jnp.maximum(hcat * dinv + b2_ref[...], 0.0)
    o_ref[...] = jnp.dot(h, w3_ref[...],
                         preferred_element_type=jnp.float32) + b3_ref[...]


_out = pl.pallas_call(
    _out_body,
    grid=(NB,),
    in_specs=[
        pl.BlockSpec((2, R, 128), lambda i: (0, i, 0)),
        pl.BlockSpec((R, 1), lambda i: (i, 0)),
        pl.BlockSpec((1, HID), lambda i: (0, 0)),
        pl.BlockSpec((HID, OUT_DIM), lambda i: (0, 0)),
        pl.BlockSpec((1, OUT_DIM), lambda i: (0, 0)),
    ],
    out_specs=pl.BlockSpec((R, OUT_DIM), lambda i: (i, 0)),
    out_shape=jax.ShapeDtypeStruct((N, OUT_DIM), jnp.float32),
)


def kernel(x, edge_index, W1, b1, W2, b2, W3, b3):
    src = edge_index[0].astype(jnp.int32)
    dst = edge_index[1].astype(jnp.int32)
    pad = EP - E
    src_p = jnp.concatenate([src, jnp.zeros((pad,), jnp.int32)])
    dst_p = jnp.concatenate([dst, jnp.full((pad,), N, jnp.int32)])
    srcg = jnp.concatenate([src_p, src_p + P]).reshape(2 * ECR, CH)
    dst2 = dst_p.reshape(ECR, CH)

    degs = _deg_call(dst2)
    xw1 = _mm1(x, W1)
    dinv = _dinv(degs.reshape(2, P, 1))
    u1 = _scale(xw1, dinv)
    agg1 = _edge_call(u1.reshape(2 * P, 128), srcg, dst2)
    u2 = _layer2(agg1.reshape(2, P, 128), dinv,
                 b1.reshape(1, HID), W2)
    agg2 = _edge_call(u2.reshape(2 * P, 128), srcg, dst2)
    return _out(agg2.reshape(2, P, 128), dinv,
                b2.reshape(1, HID), W3, b3.reshape(1, OUT_DIM))

# --- scband reference (transcript-rebuilt; emitter-appended) ---
"""Pipeline reference for scband-accessibility-learning-gnn-74002286510534 (READ-ONLY COPY).

The authoritative reference and input builder live on the scoring server;
editing this copy changes nothing except your own understanding.
"""

import jax, jax.numpy as jnp
import numpy as np

N_NODES = 10000
N_EDGES = 320000
IN_DIM = 128
HID_DIM = 256
OUT_DIM = 6


def setup_inputs(seed: int = 0) -> dict:
    key = jax.random.key(seed)
    ks = jax.random.split(key, 8)
    x = jax.random.normal(ks[0], (N_NODES, IN_DIM), dtype=jnp.float32)
    edge_index = jax.random.randint(ks[1], (2, N_EDGES), 0, N_NODES, dtype=jnp.int64 if jax.config.jax_enable_x64 else jnp.int32).astype(jnp.int32)
    # GCNConv weights (Glorot-ish scaling)
    W1 = jax.random.normal(ks[2], (IN_DIM, HID_DIM), dtype=jnp.float32) / np.sqrt(IN_DIM)
    b1 = jnp.zeros((HID_DIM,), dtype=jnp.float32)
    W2 = jax.random.normal(ks[3], (HID_DIM, HID_DIM), dtype=jnp.float32) / np.sqrt(HID_DIM)
    b2 = jnp.zeros((HID_DIM,), dtype=jnp.float32)
    W3 = jax.random.normal(ks[4], (HID_DIM, OUT_DIM), dtype=jnp.float32) / np.sqrt(HID_DIM)
    b3 = jnp.zeros((OUT_DIM,), dtype=jnp.float32)
    return {"x": x, "edge_index": edge_index, "W1": W1, "b1": b1, "W2": W2, "b2": b2, "W3": W3, "b3": b3}


def _gcn_conv(x, src, dst, W, b, num_nodes):
    # GCNConv: x' = D^{-1/2} (A + I) D^{-1/2} X W + b, with added self-loops
    xw = x @ W
    deg = jnp.zeros((num_nodes,), dtype=xw.dtype).at[dst].add(1.0)
    deg_inv_sqrt = jnp.where(deg > 0, 1.0 / jnp.sqrt(deg), 0.0)
    norm = deg_inv_sqrt[src] * deg_inv_sqrt[dst]
    msg = xw[src] * norm[:, None]
    out = jnp.zeros((num_nodes, xw.shape[1]), dtype=xw.dtype).at[dst].add(msg)
    return out + b


def reference(x, edge_index, W1, b1, W2, b2, W3, b3):
    num_nodes = x.shape[0]
    loop = jnp.arange(num_nodes, dtype=edge_index.dtype)
    src = jnp.concatenate([edge_index[0], loop])
    dst = jnp.concatenate([edge_index[1], loop])
    h1 = jax.nn.relu(_gcn_conv(x, src, dst, W1, b1, num_nodes))
    h2 = jax.nn.relu(_gcn_conv(h1, src, dst, W2, b2, num_nodes))
    accessibility = h2 @ W3 + b3
    return accessibility

if __name__ == "__main__":
    import jax
    _d = setup_inputs()
    print(jax.jit(kernel)(*tuple(_d.values())))

</pallas_src>

<mosaic_0001>
#map = affine_map<(d0, d1) -> (0, 0)>
module attributes {stable_mosaic.version = 14 : i64} {
  func.func @_edge_body(%arg0: i32, %arg1: i32, %arg2: memref<20480x128xf32, #tpu.memory_space<hbm>>, %arg3: memref<10240x64xi32, #tpu.memory_space<hbm>>, %arg4: memref<5120x64xi32, #tpu.memory_space<hbm>>, %arg5: memref<20480x128xf32, #tpu.memory_space<hbm>>, %arg6: memref<64x64xi32, #tpu.memory_space<vmem>>, %arg7: memref<64x64xi32, #tpu.memory_space<vmem>>, %arg8: memref<64x128xf32, #tpu.memory_space<vmem>>, %arg9: memref<64x128xf32, #tpu.memory_space<vmem>>, %arg10: memref<64x128xf32, #tpu.memory_space<vmem>>, %arg11: memref<64x128xf32, #tpu.memory_space<vmem>>, %arg12: memref<10240x128xf32, #tpu.memory_space<vmem_shared>>, %arg13: memref<!tpu.dma_semaphore, #tpu.memory_space<semaphore_mem>>, %arg14: memref<!tpu.dma_semaphore, #tpu.memory_space<semaphore_mem>>, %arg15: memref<!tpu.dma_semaphore, #tpu.memory_space<semaphore_mem>>, %arg16: memref<!tpu.dma_semaphore, #tpu.memory_space<semaphore_mem>>, %arg17: memref<!tpu.dma_semaphore, #tpu.memory_space<semaphore_mem>>, %arg18: memref<!tpu.dma_semaphore, #tpu.memory_space<semaphore_mem>>, %arg19: memref<!tpu.dma_semaphore, #tpu.memory_space<semaphore_mem>>, %arg20: memref<!tpu.dma_semaphore, #tpu.memory_space<semaphore_mem>>) attributes {dimension_semantics = [#tpu.dimension_semantics<core_parallel>, #tpu.dimension_semantics<subcore_parallel>], iteration_bounds = array<i64: 2, 16>, scalar_prefetch = 0 : i64, scratch_operands = 15 : i64, tpu.core_type = #tpu.core_type<sc_vector_subcore>, window_params = [{transform_indices = #map}, {transform_indices = #map}, {transform_indices = #map}, {transform_indices = #map}]} {
    %mul3A = arith.constant 640 : i32
    %mul3A_0 = arith.muli %arg1, %mul3A : i32
    %mul3A_1 = arith.constant 10240 : i32
    %mul3A_2 = arith.muli %arg0, %mul3A_1 : i32
    %add3A = arith.addi %mul3A_2, %mul3A_0 : i32
    "tpu.region"() ({
      %run_scoped3A = tpu.sem_alloc : memref<!tpu.dma_semaphore, #tpu.memory_space<semaphore_mem>>
      %dma_start3A = arith.constant 0 : i32
      %dma_start3A_13 = tpu.memref_slice %arg12[%mul3A_0, %dma_start3A] : memref<10240x128xf32, #tpu.memory_space<vmem_shared>> -> memref<640x128xf32, #tpu.memory_space<vmem_shared>>
      %dma_start3A_14 = arith.constant 0 : i32
      %dma_start3A_15 = tpu.memref_slice %arg2[%add3A, %dma_start3A_14] : memref<20480x128xf32, #tpu.memory_space<hbm>> -> memref<640x128xf32, #tpu.memory_space<hbm>>
      tpu.enqueue_dma source(%dma_start3A_15 : memref<640x128xf32, #tpu.memory_space<hbm>>) target(%dma_start3A_13 : memref<640x128xf32, #tpu.memory_space<vmem_shared>>) target_semaphore(%run_scoped3A : memref<!tpu.dma_semaphore, #tpu.memory_space<semaphore_mem>>)
      %dma_wait3A = arith.constant 0 : i32
      %dma_wait3A_16 = tpu.memref_slice %arg12[%mul3A_0, %dma_wait3A] : memref<10240x128xf32, #tpu.memory_space<vmem_shared>> -> memref<640x128xf32, #tpu.memory_space<vmem_shared>>
      %dma_wait3A_17 = arith.constant 0 : i32
      %dma_wait3A_18 = tpu.memref_slice %arg2[%add3A, %dma_wait3A_17] : memref<20480x128xf32, #tpu.memory_space<hbm>> -> memref<640x128xf32, #tpu.memory_space<hbm>>
      tpu.wait_dma2 semaphore(%run_scoped3A : memref<!tpu.dma_semaphore, #tpu.memory_space<semaphore_mem>>) src(%dma_wait3A_18 : memref<640x128xf32, #tpu.memory_space<hbm>>) dst(%dma_wait3A_16 : memref<640x128xf32, #tpu.memory_space<vmem_shared>>)
      tpu.yield
    }) : () -> ()
    %barrier3A = arith.constant 0 : index
    tpu.barrier barrier_id(%barrier3A)
    %scan3A = arith.constant 0 : i32
    %scan3A_3 = arith.constant 0 : i32
    %scan3A_4 = arith.constant 5 : i32
    %scan3A_5 = arith.addi %scan3A_3, %scan3A_4 : i32
    %scan3A_6 = arith.constant 1 : i32
    %scan3A_7 = scf.for %scan3A_13 = %scan3A_3 to %scan3A_5 step %scan3A_6 iter_args(%scan3A_14 = %scan3A) -> (i32)  : i32 {
      %mul3A_15 = arith.constant 320 : i32
      %mul3A_16 = arith.muli %arg1, %mul3A_15 : i32
      %mul3A_17 = arith.constant 64 : i32
      %mul3A_18 = arith.muli %scan3A_13, %mul3A_17 : i32
      %add3A_19 = arith.addi %mul3A_16, %mul3A_18 : i32
      %mul3A_20 = arith.constant 5120 : i32
      %mul3A_21 = arith.muli %arg0, %mul3A_20 : i32
      %add3A_22 = arith.addi %mul3A_21, %add3A_19 : i32
      "tpu.region"() ({
        %run_scoped3A = tpu.sem_alloc : memref<!tpu.dma_semaphore, #tpu.memory_space<semaphore_mem>>
        %dma_start3A_57 = arith.constant 0 : i32
        %dma_start3A_58 = tpu.memref_slice %arg3[%add3A_22, %dma_start3A_57] : memref<10240x64xi32, #tpu.memory_space<hbm>> -> memref<64x64xi32, #tpu.memory_space<hbm>>
        %dma_start3A_59 = arith.constant 0 : i32
        %dma_start3A_60 = tpu.memref_slice %arg3[%add3A_22, %dma_start3A_59] : memref<10240x64xi32, #tpu.memory_space<hbm>> -> memref<64x64xi32, #tpu.memory_space<hbm>>
        tpu.enqueue_dma source(%dma_start3A_60 : memref<64x64xi32, #tpu.memory_space<hbm>>) target(%arg6 : memref<64x64xi32, #tpu.memory_space<vmem>>) target_semaphore(%run_scoped3A : memref<!tpu.dma_semaphore, #tpu.memory_space<semaphore_mem>>)
        %dma_wait3A_61 = arith.constant 0 : i32
        %dma_wait3A_62 = tpu.memref_slice %arg3[%add3A_22, %dma_wait3A_61] : memref<10240x64xi32, #tpu.memory_space<hbm>> -> memref<64x64xi32, #tpu.memory_space<hbm>>
        %dma_wait3A_63 = arith.constant 0 : i32
        %dma_wait3A_64 = tpu.memref_slice %arg3[%add3A_22, %dma_wait3A_63] : memref<10240x64xi32, #tpu.memory_space<hbm>> -> memref<64x64xi32, #tpu.memory_space<hbm>>
        tpu.wait_dma2 semaphore(%run_scoped3A : memref<!tpu.dma_semaphore, #tpu.memory_space<semaphore_mem>>) src(%dma_wait3A_64 : memref<64x64xi32, #tpu.memory_space<hbm>>) dst(%arg6 : memref<64x64xi32, #tpu.memory_space<vmem>>)
        tpu.yield
      }) : () -> ()
      "tpu.region"() ({
        %run_scoped3A = tpu.sem_alloc : memref<!tpu.dma_semaphore, #tpu.memory_space<semaphore_mem>>
        %dma_start3A_57 = arith.constant 0 : i32
        %dma_start3A_58 = tpu.memref_slice %arg4[%add3A_19, %dma_start3A_57] : memref<5120x64xi32, #tpu.memory_space<hbm>> -> memref<64x64xi32, #tpu.memory_space<hbm>>
        %dma_start3A_59 = arith.constant 0 : i32
        %dma_start3A_60 = tpu.memref_slice %arg4[%add3A_19, %dma_start3A_59] : memref<5120x64xi32, #tpu.memory_space<hbm>> -> memref<64x64xi32, #tpu.memory_space<hbm>>
        tpu.enqueue_dma source(%dma_start3A_60 : memref<64x64xi32, #tpu.memory_space<hbm>>) target(%arg7 : memref<64x64xi32, #tpu.memory_space<vmem>>) target_semaphore(%run_scoped3A : memref<!tpu.dma_semaphore, #tpu.memory_space<semaphore_mem>>)
        %dma_wait3A_61 = arith.constant 0 : i32
        %dma_wait3A_62 = tpu.memref_slice %arg4[%add3A_19, %dma_wait3A_61] : memref<5120x64xi32, #tpu.memory_space<hbm>> -> memref<64x64xi32, #tpu.memory_space<hbm>>
        %dma_wait3A_63 = arith.constant 0 : i32
        %dma_wait3A_64 = tpu.memref_slice %arg4[%add3A_19, %dma_wait3A_63] : memref<5120x64xi32, #tpu.memory_space<hbm>> -> memref<64x64xi32, #tpu.memory_space<hbm>>
        tpu.wait_dma2 semaphore(%run_scoped3A : memref<!tpu.dma_semaphore, #tpu.memory_space<semaphore_mem>>) src(%dma_wait3A_64 : memref<64x64xi32, #tpu.memory_space<hbm>>) dst(%arg7 : memref<64x64xi32, #tpu.memory_space<vmem>>)
        tpu.yield
      }) : () -> ()
      %dma_start3A = arith.constant 0 : i32
      %dma_start3A_23 = arith.constant 0 : i32
      %dma_start3A_24 = tpu.memref_slice %arg6[%dma_start3A, %dma_start3A_23] : memref<64x64xi32, #tpu.memory_space<vmem>> -> memref<1x64xi32, #tpu.memory_space<vmem>>
      %dma_start3A_25 = tpu.memref_squeeze %dma_start3A_24 : memref<1x64xi32, #tpu.memory_space<vmem>> -> memref<64xi32, #tpu.memory_space<vmem>>
      %dma_start3A_26 = arith.constant 0 : i32
      %dma_start3A_27 = arith.constant 0 : i32
      %dma_start3A_28 = tpu.memref_slice %arg2[%dma_start3A_26, %dma_start3A_27] : memref<20480x128xf32, #tpu.memory_space<hbm>> -> memref<20480x128xf32, #tpu.memory_space<hbm>>
      tpu.enqueue_indirect_dma source(%dma_start3A_28 : memref<20480x128xf32, #tpu.memory_space<hbm>>) target(%arg8 : memref<64x128xf32, #tpu.memory_space<vmem>>) offsets(%dma_start3A_25 : memref<64xi32, #tpu.memory_space<vmem>>) semaphore(%arg13 : memref<!tpu.dma_semaphore, #tpu.memory_space<semaphore_mem>>)
      %dma_start3A_29 = arith.constant 1 : i32
      %dma_start3A_30 = arith.constant 0 : i32
      %dma_start3A_31 = tpu.memref_slice %arg6[%dma_start3A_29, %dma_start3A_30] : memref<64x64xi32, #tpu.memory_space<vmem>> -> memref<1x64xi32, #tpu.memory_space<vmem>>
      %dma_start3A_32 = tpu.memref_squeeze %dma_start3A_31 : memref<1x64xi32, #tpu.memory_space<vmem>> -> memref<64xi32, #tpu.memory_space<vmem>>
      %dma_start3A_33 = arith.constant 0 : i32
      %dma_start3A_34 = arith.constant 0 : i32
      %dma_start3A_35 = tpu.memref_slice %arg2[%dma_start3A_33, %dma_start3A_34] : memref<20480x128xf32, #tpu.memory_space<hbm>> -> memref<20480x128xf32, #tpu.memory_space<hbm>>
      tpu.enqueue_indirect_dma source(%dma_start3A_35 : memref<20480x128xf32, #tpu.memory_space<hbm>>) target(%arg9 : memref<64x128xf32, #tpu.memory_space<vmem>>) offsets(%dma_start3A_32 : memref<64xi32, #tpu.memory_space<vmem>>) semaphore(%arg14 : memref<!tpu.dma_semaphore, #tpu.memory_space<semaphore_mem>>)
      %dma_start3A_36 = arith.constant 2 : i32
      %dma_start3A_37 = arith.constant 0 : i32
      %dma_start3A_38 = tpu.memref_slice %arg6[%dma_start3A_36, %dma_start3A_37] : memref<64x64xi32, #tpu.memory_space<vmem>> -> memref<1x64xi32, #tpu.memory_space<vmem>>
      %dma_start3A_39 = tpu.memref_squeeze %dma_start3A_38 : memref<1x64xi32, #tpu.memory_space<vmem>> -> memref<64xi32, #tpu.memory_space<vmem>>
      %dma_start3A_40 = arith.constant 0 : i32
      %dma_start3A_41 = arith.constant 0 : i32
      %dma_start3A_42 = tpu.memref_slice %arg2[%dma_start3A_40, %dma_start3A_41] : memref<20480x128xf32, #tpu.memory_space<hbm>> -> memref<20480x128xf32, #tpu.memory_space<hbm>>
      tpu.enqueue_indirect_dma source(%dma_start3A_42 : memref<20480x128xf32, #tpu.memory_space<hbm>>) target(%arg10 : memref<64x128xf32, #tpu.memory_space<vmem>>) offsets(%dma_start3A_39 : memref<64xi32, #tpu.memory_space<vmem>>) semaphore(%arg15 : memref<!tpu.dma_semaphore, #tpu.memory_space<semaphore_mem>>)
      %scan3A_43 = arith.constant 0 : i32
      %scan3A_44 = arith.constant 0 : i32
      %scan3A_45 = arith.constant 16 : i32
      %scan3A_46 = arith.addi %scan3A_44, %scan3A_45 : i32
      %scan3A_47 = arith.constant 1 : i32
      %scan3A_48 = scf.for %scan3A_57 = %scan3A_44 to %scan3A_46 step %scan3A_47 iter_args(%scan3A_58 = %scan3A_43) -> (i32)  : i32 {
        %mul3A_59 = arith.constant 4 : i32
        %mul3A_60 = arith.muli %mul3A_59, %scan3A_57 : i32
        %dma_wait3A_61 = arith.constant 0 : i32
        %dma_wait3A_62 = arith.constant 0 : i32
        %dma_wait3A_63 = tpu.memref_slice %arg6[%dma_wait3A_61, %dma_wait3A_62] : memref<64x64xi32, #tpu.memory_space<vmem>> -> memref<1x64xi32, #tpu.memory_space<vmem>>
        %dma_wait3A_64 = tpu.memref_squeeze %dma_wait3A_63 : memref<1x64xi32, #tpu.memory_space<vmem>> -> memref<64xi32, #tpu.memory_space<vmem>>
        %dma_wait3A_65 = arith.constant 0 : i32
        %dma_wait3A_66 = arith.constant 0 : i32
        %dma_wait3A_67 = tpu.memref_slice %arg2[%dma_wait3A_65, %dma_wait3A_66] : memref<20480x128xf32, #tpu.memory_space<hbm>> -> memref<20480x128xf32, #tpu.memory_space<hbm>>
        tpu.wait_indirect_dma semaphore(%arg13 : memref<!tpu.dma_semaphore, #tpu.memory_space<semaphore_mem>>) src(%dma_wait3A_67 : memref<20480x128xf32, #tpu.memory_space<hbm>>) dst(%arg8 : memref<64x128xf32, #tpu.memory_space<vmem>>)
        %add3A_68 = arith.constant 0 : i32
        %add3A_69 = arith.addi %mul3A_60, %add3A_68 : i32
        %dma_start3A_70 = arith.constant 0 : i32
        %dma_start3A_71 = tpu.memref_slice %arg7[%add3A_69, %dma_start3A_70] : memref<64x64xi32, #tpu.memory_space<vmem>> -> memref<1x64xi32, #tpu.memory_space<vmem>>
        %dma_start3A_72 = tpu.memref_squeeze %dma_start3A_71 : memref<1x64xi32, #tpu.memory_space<vmem>> -> memref<64xi32, #tpu.memory_space<vmem>>
        %dma_start3A_73 = arith.constant 0 : i32
        %dma_start3A_74 = arith.constant 0 : i32
        %dma_start3A_75 = tpu.memref_slice %arg12[%dma_start3A_73, %dma_start3A_74] : memref<10240x128xf32, #tpu.memory_space<vmem_shared>> -> memref<10240x128xf32, #tpu.memory_space<vmem_shared>>
        tpu.enqueue_indirect_dma source(%arg8 : memref<64x128xf32, #tpu.memory_space<vmem>>) target(%dma_start3A_75 : memref<10240x128xf32, #tpu.memory_space<vmem_shared>>) offsets(%dma_start3A_72 : memref<64xi32, #tpu.memory_space<vmem>>) semaphore(%arg17 : memref<!tpu.dma_semaphore, #tpu.memory_space<semaphore_mem>>) {add = true}
        %gt3A = arith.constant 0 : i32
        %gt3A_76 = arith.cmpi sgt, %scan3A_57, %gt3A : i32
        %convert_element_type3A = arith.extui %gt3A_76 : i1 to i32
        %cond3A = arith.constant 0 : i32
        %cond3A_77 = arith.cmpi ne, %convert_element_type3A, %cond3A : i32
        scf.if %cond3A_77 {
          %dma_wait3A_169 = arith.constant 0 : i32
          %dma_wait3A_170 = arith.constant 0 : i32
          %dma_wait3A_171 = tpu.memref_slice %arg7[%dma_wait3A_169, %dma_wait3A_170] : memref<64x64xi32, #tpu.memory_space<vmem>> -> memref<1x64xi32, #tpu.memory_space<vmem>>
          %dma_wait3A_172 = tpu.memref_squeeze %dma_wait3A_171 : memref<1x64xi32, #tpu.memory_space<vmem>> -> memref<64xi32, #tpu.memory_space<vmem>>
          %dma_wait3A_173 = arith.constant 0 : i32
          %dma_wait3A_174 = arith.constant 0 : i32
          %dma_wait3A_175 = tpu.memref_slice %arg12[%dma_wait3A_173, %dma_wait3A_174] : memref<10240x128xf32, #tpu.memory_space<vmem_shared>> -> memref<10240x128xf32, #tpu.memory_space<vmem_shared>>
          tpu.wait_indirect_dma semaphore(%arg20 : memref<!tpu.dma_semaphore, #tpu.memory_space<semaphore_mem>>) src(%arg11 : memref<64x128xf32, #tpu.memory_space<vmem>>) dst(%dma_wait3A_175 : memref<10240x128xf32, #tpu.memory_space<vmem_shared>>)
        } else {
        }
        %add3A_78 = arith.constant 0 : i32
        %add3A_79 = arith.addi %mul3A_60, %add3A_78 : i32
        %add3A_80 = arith.constant 3 : i32
        %add3A_81 = arith.addi %add3A_79, %add3A_80 : i32
        %dma_start3A_82 = arith.constant 0 : i32
        %dma_start3A_83 = tpu.memref_slice %arg6[%add3A_81, %dma_start3A_82] : memref<64x64xi32, #tpu.memory_space<vmem>> -> memref<1x64xi32, #tpu.memory_space<vmem>>
        %dma_start3A_84 = tpu.memref_squeeze %dma_start3A_83 : memref<1x64xi32, #tpu.memory_space<vmem>> -> memref<64xi32, #tpu.memory_space<vmem>>
        %dma_start3A_85 = arith.constant 0 : i32
        %dma_start3A_86 = arith.constant 0 : i32
        %dma_start3A_87 = tpu.memref_slice %arg2[%dma_start3A_85, %dma_start3A_86] : memref<20480x128xf32, #tpu.memory_space<hbm>> -> memref<20480x128xf32, #tpu.memory_space<hbm>>
        tpu.enqueue_indirect_dma source(%dma_start3A_87 : memref<20480x128xf32, #tpu.memory_space<hbm>>) target(%arg11 : memref<64x128xf32, #tpu.memory_space<vmem>>) offsets(%dma_start3A_84 : memref<64xi32, #tpu.memory_space<vmem>>) semaphore(%arg16 : memref<!tpu.dma_semaphore, #tpu.memory_space<semaphore_mem>>)
        %dma_wait3A_88 = arith.constant 0 : i32
        %dma_wait3A_89 = arith.constant 0 : i32
        %dma_wait3A_90 = tpu.memref_slice %arg6[%dma_wait3A_88, %dma_wait3A_89] : memref<64x64xi32, #tpu.memory_space<vmem>> -> memref<1x64xi32, #tpu.memory_space<vmem>>
        %dma_wait3A_91 = tpu.memref_squeeze %dma_wait3A_90 : memref<1x64xi32, #tpu.memory_space<vmem>> -> memref<64xi32, #tpu.memory_space<vmem>>
        %dma_wait3A_92 = arith.constant 0 : i32
        %dma_wait3A_93 = arith.constant 0 : i32
        %dma_wait3A_94 = tpu.memref_slice %arg2[%dma_wait3A_92, %dma_wait3A_93] : memref<20480x128xf32, #tpu.memory_space<hbm>> -> memref<20480x128xf32, #tpu.memory_space<hbm>>
        tpu.wait_indirect_dma semaphore(%arg14 : memref<!tpu.dma_semaphore, #tpu.memory_space<semaphore_mem>>) src(%dma_wait3A_94 : memref<20480x128xf32, #tpu.memory_space<hbm>>) dst(%arg9 : memref<64x128xf32, #tpu.memory_space<vmem>>)
        %add3A_95 = arith.constant 1 : i32
        %add3A_96 = arith.addi %mul3A_60, %add3A_95 : i32
        %dma_start3A_97 = arith.constant 0 : i32
        %dma_start3A_98 = tpu.memref_slice %arg7[%add3A_96, %dma_start3A_97] : memref<64x64xi32, #tpu.memory_space<vmem>> -> memref<1x64xi32, #tpu.memory_space<vmem>>
        %dma_start3A_99 = tpu.memref_squeeze %dma_start3A_98 : memref<1x64xi32, #tpu.memory_space<vmem>> -> memref<64xi32, #tpu.memory_space<vmem>>
        %dma_start3A_100 = arith.constant 0 : i32
        %dma_start3A_101 = arith.constant 0 : i32
        %dma_start3A_102 = tpu.memref_slice %arg12[%dma_start3A_100, %dma_start3A_101] : memref<10240x128xf32, #tpu.memory_space<vmem_shared>> -> memref<10240x128xf32, #tpu.memory_space<vmem_shared>>
        tpu.enqueue_indirect_dma source(%arg9 : memref<64x128xf32, #tpu.memory_space<vmem>>) target(%dma_start3A_102 : memref<10240x128xf32, #tpu.memory_space<vmem_shared>>) offsets(%dma_start3A_99 : memref<64xi32, #tpu.memory_space<vmem>>) semaphore(%arg18 : memref<!tpu.dma_semaphore, #tpu.memory_space<semaphore_mem>>) {add = true}
        %dma_wait3A_103 = arith.constant 0 : i32
        %dma_wait3A_104 = arith.constant 0 : i32
        %dma_wait3A_105 = tpu.memref_slice %arg7[%dma_wait3A_103, %dma_wait3A_104] : memref<64x64xi32, #tpu.memory_space<vmem>> -> memref<1x64xi32, #tpu.memory_space<vmem>>
        %dma_wait3A_106 = tpu.memref_squeeze %dma_wait3A_105 : memref<1x64xi32, #tpu.memory_space<vmem>> -> memref<64xi32, #tpu.memory_space<vmem>>
        %dma_wait3A_107 = arith.constant 0 : i32
        %dma_wait3A_108 = arith.constant 0 : i32
        %dma_wait3A_109 = tpu.memref_slice %arg12[%dma_wait3A_107, %dma_wait3A_108] : memref<10240x128xf32, #tpu.memory_space<vmem_shared>> -> memref<10240x128xf32, #tpu.memory_space<vmem_shared>>
        tpu.wait_indirect_dma semaphore(%arg17 : memref<!tpu.dma_semaphore, #tpu.memory_space<semaphore_mem>>) src(%arg8 : memref<64x128xf32, #tpu.memory_space<vmem>>) dst(%dma_wait3A_109 : memref<10240x128xf32, #tpu.memory_space<vmem_shared>>)
        %lt3A = arith.constant 15 : i32
        %lt3A_110 = arith.cmpi slt, %scan3A_57, %lt3A : i32
        %convert_element_type3A_111 = arith.extui %lt3A_110 : i1 to i32
        %cond3A_112 = arith.constant 0 : i32
        %cond3A_113 = arith.cmpi ne, %convert_element_type3A_111, %cond3A_112 : i32
        scf.if %cond3A_113 {
          %add3A_169 = arith.constant 1 : i32
          %add3A_170 = arith.addi %mul3A_60, %add3A_169 : i32
          %add3A_171 = arith.constant 3 : i32
          %add3A_172 = arith.addi %add3A_170, %add3A_171 : i32
          %dma_start3A_173 = arith.constant 0 : i32
          %dma_start3A_174 = tpu.memref_slice %arg6[%add3A_172, %dma_start3A_173] : memref<64x64xi32, #tpu.memory_space<vmem>> -> memref<1x64xi32, #tpu.memory_space<vmem>>
          %dma_start3A_175 = tpu.memref_squeeze %dma_start3A_174 : memref<1x64xi32, #tpu.memory_space<vmem>> -> memref<64xi32, #tpu.memory_space<vmem>>
          %dma_start3A_176 = arith.constant 0 : i32
          %dma_start3A_177 = arith.constant 0 : i32
          %dma_start3A_178 = tpu.memref_slice %arg2[%dma_start3A_176, %dma_start3A_177] : memref<20480x128xf32, #tpu.memory_space<hbm>> -> memref<20480x128xf32, #tpu.memory_space<hbm>>
          tpu.enqueue_indirect_dma source(%dma_start3A_178 : memref<20480x128xf32, #tpu.memory_space<hbm>>) target(%arg8 : memref<64x128xf32, #tpu.memory_space<vmem>>) offsets(%dma_start3A_175 : memref<64xi32, #tpu.memory_space<vmem>>) semaphore(%arg13 : memref<!tpu.dma_semaphore, #tpu.memory_space<semaphore_mem>>)
        } else {
        }
        %dma_wait3A_114 = arith.constant 0 : i32
        %dma_wait3A_115 = arith.constant 0 : i32
        %dma_wait3A_116 = tpu.memref_slice %arg6[%dma_wait3A_114, %dma_wait3A_115] : memref<64x64xi32, #tpu.memory_space<vmem>> -> memref<1x64xi32, #tpu.memory_space<vmem>>
        %dma_wait3A_117 = tpu.memref_squeeze %dma_wait3A_116 : memref<1x64xi32, #tpu.memory_space<vmem>> -> memref<64xi32, #tpu.memory_space<vmem>>
        %dma_wait3A_118 = arith.constant 0 : i32
        %dma_wait3A_119 = arith.constant 0 : i32
        %dma_wait3A_120 = tpu.memref_slice %arg2[%dma_wait3A_118, %dma_wait3A_119] : memref<20480x128xf32, #tpu.memory_space<hbm>> -> memref<20480x128xf32, #tpu.memory_space<hbm>>
        tpu.wait_indirect_dma semaphore(%arg15 : memref<!tpu.dma_semaphore, #tpu.memory_space<semaphore_mem>>) src(%dma_wait3A_120 : memref<20480x128xf32, #tpu.memory_space<hbm>>) dst(%arg10 : memref<64x128xf32, #tpu.memory_space<vmem>>)
        %add3A_121 = arith.constant 2 : i32
        %add3A_122 = arith.addi %mul3A_60, %add3A_121 : i32
        %dma_start3A_123 = arith.constant 0 : i32
        %dma_start3A_124 = tpu.memref_slice %arg7[%add3A_122, %dma_start3A_123] : memref<64x64xi32, #tpu.memory_space<vmem>> -> memref<1x64xi32, #tpu.memory_space<vmem>>
        %dma_start3A_125 = tpu.memref_squeeze %dma_start3A_124 : memref<1x64xi32, #tpu.memory_space<vmem>> -> memref<64xi32, #tpu.memory_space<vmem>>
        %dma_start3A_126 = arith.constant 0 : i32
        %dma_start3A_127 = arith.constant 0 : i32
        %dma_start3A_128 = tpu.memref_slice %arg12[%dma_start3A_126, %dma_start3A_127] : memref<10240x128xf32, #tpu.memory_space<vmem_shared>> -> memref<10240x128xf32, #tpu.memory_space<vmem_shared>>
        tpu.enqueue_indirect_dma source(%arg10 : memref<64x128xf32, #tpu.memory_space<vmem>>) target(%dma_start3A_128 : memref<10240x128xf32, #tpu.memory_space<vmem_shared>>) offsets(%dma_start3A_125 : memref<64xi32, #tpu.memory_space<vmem>>) semaphore(%arg19 : memref<!tpu.dma_semaphore, #tpu.memory_space<semaphore_mem>>) {add = true}
        %dma_wait3A_129 = arith.constant 0 : i32
        %dma_wait3A_130 = arith.constant 0 : i32
        %dma_wait3A_131 = tpu.memref_slice %arg7[%dma_wait3A_129, %dma_wait3A_130] : memref<64x64xi32, #tpu.memory_space<vmem>> -> memref<1x64xi32, #tpu.memory_space<vmem>>
        %dma_wait3A_132 = tpu.memref_squeeze %dma_wait3A_131 : memref<1x64xi32, #tpu.memory_space<vmem>> -> memref<64xi32, #tpu.memory_space<vmem>>
        %dma_wait3A_133 = arith.constant 0 : i32
        %dma_wait3A_134 = arith.constant 0 : i32
        %dma_wait3A_135 = tpu.memref_slice %arg12[%dma_wait3A_133, %dma_wait3A_134] : memref<10240x128xf32, #tpu.memory_space<vmem_shared>> -> memref<10240x128xf32, #tpu.memory_space<vmem_shared>>
        tpu.wait_indirect_dma semaphore(%arg18 : memref<!tpu.dma_semaphore, #tpu.memory_space<semaphore_mem>>) src(%arg9 : memref<64x128xf32, #tpu.memory_space<vmem>>) dst(%dma_wait3A_135 : memref<10240x128xf32, #tpu.memory_space<vmem_shared>>)
        %lt3A_136 = arith.constant 15 : i32
        %lt3A_137 = arith.cmpi slt, %scan3A_57, %lt3A_136 : i32
        %convert_element_type3A_138 = arith.extui %lt3A_137 : i1 to i32
        %cond3A_139 = arith.constant 0 : i32
        %cond3A_140 = arith.cmpi ne, %convert_element_type3A_138, %cond3A_139 : i32
        scf.if %cond3A_140 {
          %add3A_169 = arith.constant 2 : i32
          %add3A_170 = arith.addi %mul3A_60, %add3A_169 : i32
          %add3A_171 = arith.constant 3 : i32
          %add3A_172 = arith.addi %add3A_170, %add3A_171 : i32
          %dma_start3A_173 = arith.constant 0 : i32
          %dma_start3A_174 = tpu.memref_slice %arg6[%add3A_172, %dma_start3A_173] : memref<64x64xi32, #tpu.memory_space<vmem>> -> memref<1x64xi32, #tpu.memory_space<vmem>>
          %dma_start3A_175 = tpu.memref_squeeze %dma_start3A_174 : memref<1x64xi32, #tpu.memory_space<vmem>> -> memref<64xi32, #tpu.memory_space<vmem>>
          %dma_start3A_176 = arith.constant 0 : i32
          %dma_start3A_177 = arith.constant 0 : i32
          %dma_start3A_178 = tpu.memref_slice %arg2[%dma_start3A_176, %dma_start3A_177] : memref<20480x128xf32, #tpu.memory_space<hbm>> -> memref<20480x128xf32, #tpu.memory_space<hbm>>
          tpu.enqueue_indirect_dma source(%dma_start3A_178 : memref<20480x128xf32, #tpu.memory_space<hbm>>) target(%arg9 : memref<64x128xf32, #tpu.memory_space<vmem>>) offsets(%dma_start3A_175 : memref<64xi32, #tpu.memory_space<vmem>>) semaphore(%arg14 : memref<!tpu.dma_semaphore, #tpu.memory_space<semaphore_mem>>)
        } else {
        }
        %dma_wait3A_141 = arith.constant 0 : i32
        %dma_wait3A_142 = arith.constant 0 : i32
        %dma_wait3A_143 = tpu.memref_slice %arg6[%dma_wait3A_141, %dma_wait3A_142] : memref<64x64xi32, #tpu.memory_space<vmem>> -> memref<1x64xi32, #tpu.memory_space<vmem>>
        %dma_wait3A_144 = tpu.memref_squeeze %dma_wait3A_143 : memref<1x64xi32, #tpu.memory_space<vmem>> -> memref<64xi32, #tpu.memory_space<vmem>>
        %dma_wait3A_145 = arith.constant 0 : i32
        %dma_wait3A_146 = arith.constant 0 : i32
        %dma_wait3A_147 = tpu.memref_slice %arg2[%dma_wait3A_145, %dma_wait3A_146] : memref<20480x128xf32, #tpu.memory_space<hbm>> -> memref<20480x128xf32, #tpu.memory_space<hbm>>
        tpu.wait_indirect_dma semaphore(%arg16 : memref<!tpu.dma_semaphore, #tpu.memory_space<semaphore_mem>>) src(%dma_wait3A_147 : memref<20480x128xf32, #tpu.memory_space<hbm>>) dst(%arg11 : memref<64x128xf32, #tpu.memory_space<vmem>>)
        %add3A_148 = arith.constant 3 : i32
        %add3A_149 = arith.addi %mul3A_60, %add3A_148 : i32
        %dma_start3A_150 = arith.constant 0 : i32
        %dma_start3A_151 = tpu.memref_slice %arg7[%add3A_149, %dma_start3A_150] : memref<64x64xi32, #tpu.memory_space<vmem>> -> memref<1x64xi32, #tpu.memory_space<vmem>>
        %dma_start3A_152 = tpu.memref_squeeze %dma_start3A_151 : memref<1x64xi32, #tpu.memory_space<vmem>> -> memref<64xi32, #tpu.memory_space<vmem>>
        %dma_start3A_153 = arith.constant 0 : i32
        %dma_start3A_154 = arith.constant 0 : i32
        %dma_start3A_155 = tpu.memref_slice %arg12[%dma_start3A_153, %dma_start3A_154] : memref<10240x128xf32, #tpu.memory_space<vmem_shared>> -> memref<10240x128xf32, #tpu.memory_space<vmem_shared>>
        tpu.enqueue_indirect_dma source(%arg11 : memref<64x128xf32, #tpu.memory_space<vmem>>) target(%dma_start3A_155 : memref<10240x128xf32, #tpu.memory_space<vmem_shared>>) offsets(%dma_start3A_152 : memref<64xi32, #tpu.memory_space<vmem>>) semaphore(%arg20 : memref<!tpu.dma_semaphore, #tpu.memory_space<semaphore_mem>>) {add = true}
        %dma_wait3A_156 = arith.constant 0 : i32
        %dma_wait3A_157 = arith.constant 0 : i32
        %dma_wait3A_158 = tpu.memref_slice %arg7[%dma_wait3A_156, %dma_wait3A_157] : memref<64x64xi32, #tpu.memory_space<vmem>> -> memref<1x64xi32, #tpu.memory_space<vmem>>
        %dma_wait3A_159 = tpu.memref_squeeze %dma_wait3A_158 : memref<1x64xi32, #tpu.memory_space<vmem>> -> memref<64xi32, #tpu.memory_space<vmem>>
        %dma_wait3A_160 = arith.constant 0 : i32
        %dma_wait3A_161 = arith.constant 0 : i32
        %dma_wait3A_162 = tpu.memref_slice %arg12[%dma_wait3A_160, %dma_wait3A_161] : memref<10240x128xf32, #tpu.memory_space<vmem_shared>> -> memref<10240x128xf32, #tpu.memory_space<vmem_shared>>
        tpu.wait_indirect_dma semaphore(%arg19 : memref<!tpu.dma_semaphore, #tpu.memory_space<semaphore_mem>>) src(%arg10 : memref<64x128xf32, #tpu.memory_space<vmem>>) dst(%dma_wait3A_162 : memref<10240x128xf32, #tpu.memory_space<vmem_shared>>)
        %lt3A_163 = arith.constant 15 : i32
        %lt3A_164 = arith.cmpi slt, %scan3A_57, %lt3A_163 : i32
        %convert_element_type3A_165 = arith.extui %lt3A_164 : i1 to i32
        %cond3A_166 = arith.constant 0 : i32
        %cond3A_167 = arith.cmpi ne, %convert_element_type3A_165, %cond3A_166 : i32
        scf.if %cond3A_167 {
          %add3A_169 = arith.constant 3 : i32
          %add3A_170 = arith.addi %mul3A_60, %add3A_169 : i32
          %add3A_171 = arith.constant 3 : i32
          %add3A_172 = arith.addi %add3A_170, %add3A_171 : i32
          %dma_start3A_173 = arith.constant 0 : i32
          %dma_start3A_174 = tpu.memref_slice %arg6[%add3A_172, %dma_start3A_173] : memref<64x64xi32, #tpu.memory_space<vmem>> -> memref<1x64xi32, #tpu.memory_space<vmem>>
          %dma_start3A_175 = tpu.memref_squeeze %dma_start3A_174 : memref<1x64xi32, #tpu.memory_space<vmem>> -> memref<64xi32, #tpu.memory_space<vmem>>
          %dma_start3A_176 = arith.constant 0 : i32
          %dma_start3A_177 = arith.constant 0 : i32
          %dma_start3A_178 = tpu.memref_slice %arg2[%dma_start3A_176, %dma_start3A_177] : memref<20480x128xf32, #tpu.memory_space<hbm>> -> memref<20480x128xf32, #tpu.memory_space<hbm>>
          tpu.enqueue_indirect_dma source(%dma_start3A_178 : memref<20480x128xf32, #tpu.memory_space<hbm>>) target(%arg10 : memref<64x128xf32, #tpu.memory_space<vmem>>) offsets(%dma_start3A_175 : memref<64xi32, #tpu.memory_space<vmem>>) semaphore(%arg15 : memref<!tpu.dma_semaphore, #tpu.memory_space<semaphore_mem>>)
        } else {
        }
        %scan3A_168 = arith.constant 0 : i32
        scf.yield %scan3A_168 : i32
      }
      %scan3A_49 = arith.constant 16 : i32
      %dma_wait3A = arith.constant 0 : i32
      %dma_wait3A_50 = arith.constant 0 : i32
      %dma_wait3A_51 = tpu.memref_slice %arg7[%dma_wait3A, %dma_wait3A_50] : memref<64x64xi32, #tpu.memory_space<vmem>> -> memref<1x64xi32, #tpu.memory_space<vmem>>
      %dma_wait3A_52 = tpu.memref_squeeze %dma_wait3A_51 : memref<1x64xi32, #tpu.memory_space<vmem>> -> memref<64xi32, #tpu.memory_space<vmem>>
      %dma_wait3A_53 = arith.constant 0 : i32
      %dma_wait3A_54 = arith.constant 0 : i32
      %dma_wait3A_55 = tpu.memref_slice %arg12[%dma_wait3A_53, %dma_wait3A_54] : memref<10240x128xf32, #tpu.memory_space<vmem_shared>> -> memref<10240x128xf32, #tpu.memory_space<vmem_shared>>
      tpu.wait_indirect_dma semaphore(%arg20 : memref<!tpu.dma_semaphore, #tpu.memory_space<semaphore_mem>>) src(%arg11 : memref<64x128xf32, #tpu.memory_space<vmem>>) dst(%dma_wait3A_55 : memref<10240x128xf32, #tpu.memory_space<vmem_shared>>)
      %scan3A_56 = arith.constant 0 : i32
      scf.yield %scan3A_56 : i32
    }
    %scan3A_8 = arith.constant 5 : i32
    %barrier3A_9 = arith.constant 0 : index
    tpu.barrier barrier_id(%barrier3A_9)
    %mul3A_10 = arith.constant 10240 : i32
    %mul3A_11 = arith.muli %arg0, %mul3A_10 : i32
    %add3A_12 = arith.addi %mul3A_11, %mul3A_0 : i32
    "tpu.region"() ({
      %run_scoped3A = tpu.sem_alloc : memref<!tpu.dma_semaphore, #tpu.memory_space<semaphore_mem>>
      %dma_start3A = arith.constant 0 : i32
      %dma_start3A_13 = tpu.memref_slice %arg5[%add3A_12, %dma_start3A] : memref<20480x128xf32, #tpu.memory_space<hbm>> -> memref<640x128xf32, #tpu.memory_space<hbm>>
      %dma_start3A_14 = arith.constant 0 : i32
      %dma_start3A_15 = tpu.memref_slice %arg12[%mul3A_0, %dma_start3A_14] : memref<10240x128xf32, #tpu.memory_space<vmem_shared>> -> memref<640x128xf32, #tpu.memory_space<vmem_shared>>
      tpu.enqueue_dma source(%dma_start3A_15 : memref<640x128xf32, #tpu.memory_space<vmem_shared>>) target(%dma_start3A_13 : memref<640x128xf32, #tpu.memory_space<hbm>>) target_semaphore(%run_scoped3A : memref<!tpu.dma_semaphore, #tpu.memory_space<semaphore_mem>>)
      %dma_wait3A = arith.constant 0 : i32
      %dma_wait3A_16 = tpu.memref_slice %arg5[%add3A_12, %dma_wait3A] : memref<20480x128xf32, #tpu.memory_space<hbm>> -> memref<640x128xf32, #tpu.memory_space<hbm>>
      %dma_wait3A_17 = arith.constant 0 : i32
      %dma_wait3A_18 = tpu.memref_slice %arg12[%mul3A_0, %dma_wait3A_17] : memref<10240x128xf32, #tpu.memory_space<vmem_shared>> -> memref<640x128xf32, #tpu.memory_space<vmem_shared>>
      tpu.wait_dma2 semaphore(%run_scoped3A : memref<!tpu.dma_semaphore, #tpu.memory_space<semaphore_mem>>) src(%dma_wait3A_18 : memref<640x128xf32, #tpu.memory_space<vmem_shared>>) dst(%dma_wait3A_16 : memref<640x128xf32, #tpu.memory_space<hbm>>)
      tpu.yield
    }) : () -> ()
    return
  }
}

#map = affine_map<(d0, d1) -> (0, 0)>
#map1 = affine_map<(d0, d1) -> (0)>
module attributes {stable_mosaic.version = 14 : i64} {
  func.func @_deg_body(%arg0: i32, %arg1: i32, %arg2: memref<5120x64xi32, #tpu.memory_space<hbm>>, %arg3: memref<20480xf32, #tpu.memory_space<hbm>>, %arg4: memref<160x64xi32, #tpu.memory_space<vmem>>, %arg5: memref<64xf32, #tpu.memory_space<vmem>>, %arg6: memref<640xf32, #tpu.memory_space<vmem>>, %arg7: memref<10240xf32, #tpu.memory_space<vmem_shared>>) attributes {dimension_semantics = [#tpu.dimension_semantics<core_parallel>, #tpu.dimension_semantics<subcore_parallel>], iteration_bounds = array<i64: 2, 16>, scalar_prefetch = 0 : i64, scratch_operands = 4 : i64, tpu.core_type = #tpu.core_type<sc_vector_subcore>, window_params = [{transform_indices = #map}, {transform_indices = #map1}]} {
    %mul3A = arith.constant 640 : i32
    %mul3A_0 = arith.muli %arg1, %mul3A : i32
    %scan3A = arith.constant 0 : i32
    %scan3A_1 = arith.constant 0 : i32
    %scan3A_2 = arith.constant 40 : i32
    %scan3A_3 = arith.addi %scan3A_1, %scan3A_2 : i32
    %scan3A_4 = arith.constant 1 : i32
    %scan3A_5 = scf.for %scan3A_21 = %scan3A_1 to %scan3A_3 step %scan3A_4 iter_args(%scan3A_22 = %scan3A) -> (i32)  : i32 {
      %broadcast_in_dim3A = arith.constant 0.000000e+00 : f32
      %broadcast_in_dim3A_23 = vector.broadcast %broadcast_in_dim3A : f32 to vector<16xf32>
      %mul3A_24 = arith.constant 16 : i32
      %mul3A_25 = arith.muli %scan3A_21, %mul3A_24 : i32
      %swap3A = arith.index_cast %mul3A_25 : i32 to index
      %swap3A_26 = tpu.vector_load %arg6[%swap3A] {strides = array<i32>} : memref<640xf32, #tpu.memory_space<vmem>>, vector<16xf32>,
      %swap3A_27 = vector.shape_cast %swap3A_26 : vector<16xf32> to vector<16xf32>
      %swap3A_28 = vector.shape_cast %broadcast_in_dim3A_23 : vector<16xf32> to vector<16xf32>
      tpu.vector_store %arg6[%swap3A], %swap3A_28 {strides = array<i32>} : memref<640xf32, #tpu.memory_space<vmem>>, vector<16xf32>,
      %broadcast_in_dim3A_29 = arith.constant 1.000000e+00 : f32
      %broadcast_in_dim3A_30 = vector.broadcast %broadcast_in_dim3A_29 : f32 to vector<16xf32>
      %jit3A = arith.constant 4 : i32
      %eq3A_31 = arith.constant 0 : i32
      %eq3A_32 = arith.cmpi eq, %jit3A, %eq3A_31 : i32
      %jit3A_33 = arith.constant 1 : i32
      %select_n3A = arith.select %eq3A_32, %jit3A_33, %jit3A : i32
      %rem3A = arith.remsi %scan3A_21, %select_n3A : i32
      %ne3A = arith.constant 0 : i32
      %ne3A_34 = arith.cmpi ne, %rem3A, %ne3A : i32
      %lt3A = arith.constant 0 : i32
      %lt3A_35 = arith.cmpi slt, %rem3A, %lt3A : i32
      %lt3A_36 = arith.constant 0 : i32
      %lt3A_37 = arith.cmpi slt, %select_n3A, %lt3A_36 : i32
      %ne3A_38 = arith.xori %lt3A_35, %lt3A_37 : i1
      %and3A = arith.andi %ne3A_38, %ne3A_34 : i1
      %add3A_39 = arith.addi %rem3A, %select_n3A : i32
      %select_n3A_40 = arith.select %and3A, %add3A_39, %rem3A : i32
      %mul3A_41 = arith.constant 16 : i32
      %mul3A_42 = arith.muli %select_n3A_40, %mul3A_41 : i32
      %swap3A_43 = arith.index_cast %mul3A_42 : i32 to index
      %swap3A_44 = tpu.vector_load %arg5[%swap3A_43] {strides = array<i32>} : memref<64xf32, #tpu.memory_space<vmem>>, vector<16xf32>,
      %swap3A_45 = vector.shape_cast %swap3A_44 : vector<16xf32> to vector<16xf32>
      %swap3A_46 = vector.shape_cast %broadcast_in_dim3A_30 : vector<16xf32> to vector<16xf32>
      tpu.vector_store %arg5[%swap3A_43], %swap3A_46 {strides = array<i32>} : memref<64xf32, #tpu.memory_space<vmem>>, vector<16xf32>,
      %scan3A_47 = arith.constant 0 : i32
      scf.yield %scan3A_47 : i32
    }
    %scan3A_6 = arith.constant 40 : i32
    "tpu.region"() ({
      %run_scoped3A = tpu.sem_alloc : memref<!tpu.dma_semaphore, #tpu.memory_space<semaphore_mem>>
      %dma_start3A = tpu.memref_slice %arg7[%mul3A_0] : memref<10240xf32, #tpu.memory_space<vmem_shared>> -> memref<640xf32, #tpu.memory_space<vmem_shared>>
      %dma_start3A_21 = tpu.memref_slice %arg7[%mul3A_0] : memref<10240xf32, #tpu.memory_space<vmem_shared>> -> memref<640xf32, #tpu.memory_space<vmem_shared>>
      tpu.enqueue_dma source(%arg6 : memref<640xf32, #tpu.memory_space<vmem>>) target(%dma_start3A_21 : memref<640xf32, #tpu.memory_space<vmem_shared>>) target_semaphore(%run_scoped3A : memref<!tpu.dma_semaphore, #tpu.memory_space<semaphore_mem>>)
      %dma_wait3A = tpu.memref_slice %arg7[%mul3A_0] : memref<10240xf32, #tpu.memory_space<vmem_shared>> -> memref<640xf32, #tpu.memory_space<vmem_shared>>
      %dma_wait3A_22 = tpu.memref_slice %arg7[%mul3A_0] : memref<10240xf32, #tpu.memory_space<vmem_shared>> -> memref<640xf32, #tpu.memory_space<vmem_shared>>
      tpu.wait_dma2 semaphore(%run_scoped3A : memref<!tpu.dma_semaphore, #tpu.memory_space<semaphore_mem>>) src(%arg6 : memref<640xf32, #tpu.memory_space<vmem>>) dst(%dma_wait3A_22 : memref<640xf32, #tpu.memory_space<vmem_shared>>)
      tpu.yield
    }) : () -> ()
    %barrier3A = arith.constant 0 : index
    tpu.barrier barrier_id(%barrier3A)
    %mul3A_7 = arith.constant 16 : i32
    %mul3A_8 = arith.muli %arg0, %mul3A_7 : i32
    %add3A = arith.addi %mul3A_8, %arg1 : i32
    %mul3A_9 = arith.constant 160 : i32
    %mul3A_10 = arith.muli %add3A, %mul3A_9 : i32
    "tpu.region"() ({
      %run_scoped3A = tpu.sem_alloc : memref<!tpu.dma_semaphore, #tpu.memory_space<semaphore_mem>>
      %dma_start3A = arith.constant 0 : i32
      %dma_start3A_21 = tpu.memref_slice %arg2[%mul3A_10, %dma_start3A] : memref<5120x64xi32, #tpu.memory_space<hbm>> -> memref<160x64xi32, #tpu.memory_space<hbm>>
      %dma_start3A_22 = arith.constant 0 : i32
      %dma_start3A_23 = tpu.memref_slice %arg2[%mul3A_10, %dma_start3A_22] : memref<5120x64xi32, #tpu.memory_space<hbm>> -> memref<160x64xi32, #tpu.memory_space<hbm>>
      tpu.enqueue_dma source(%dma_start3A_23 : memref<160x64xi32, #tpu.memory_space<hbm>>) target(%arg4 : memref<160x64xi32, #tpu.memory_space<vmem>>) target_semaphore(%run_scoped3A : memref<!tpu.dma_semaphore, #tpu.memory_space<semaphore_mem>>)
      %dma_wait3A = arith.constant 0 : i32
      %dma_wait3A_24 = tpu.memref_slice %arg2[%mul3A_10, %dma_wait3A] : memref<5120x64xi32, #tpu.memory_space<hbm>> -> memref<160x64xi32, #tpu.memory_space<hbm>>
      %dma_wait3A_25 = arith.constant 0 : i32
      %dma_wait3A_26 = tpu.memref_slice %arg2[%mul3A_10, %dma_wait3A_25] : memref<5120x64xi32, #tpu.memory_space<hbm>> -> memref<160x64xi32, #tpu.memory_space<hbm>>
      tpu.wait_dma2 semaphore(%run_scoped3A : memref<!tpu.dma_semaphore, #tpu.memory_space<semaphore_mem>>) src(%dma_wait3A_26 : memref<160x64xi32, #tpu.memory_space<hbm>>) dst(%arg4 : memref<160x64xi32, #tpu.memory_space<vmem>>)
      tpu.yield
    }) : () -> ()
    %scan3A_11 = arith.constant 0 : i32
    %scan3A_12 = arith.constant 0 : i32
    %scan3A_13 = arith.constant 160 : i32
    %scan3A_14 = arith.addi %scan3A_12, %scan3A_13 : i32
    %scan3A_15 = arith.constant 1 : i32
    %scan3A_16 = scf.for %scan3A_21 = %scan3A_12 to %scan3A_14 step %scan3A_15 iter_args(%scan3A_22 = %scan3A_11) -> (i32)  : i32 {
      "tpu.region"() ({
        %run_scoped3A = tpu.sem_alloc : memref<!tpu.dma_semaphore, #tpu.memory_space<semaphore_mem>>
        %dma_start3A = arith.constant 0 : i32
        %dma_start3A_24 = tpu.memref_slice %arg4[%scan3A_21, %dma_start3A] : memref<160x64xi32, #tpu.memory_space<vmem>> -> memref<1x64xi32, #tpu.memory_space<vmem>>
        %dma_start3A_25 = tpu.memref_squeeze %dma_start3A_24 : memref<1x64xi32, #tpu.memory_space<vmem>> -> memref<64xi32, #tpu.memory_space<vmem>>
        %dma_start3A_26 = arith.constant 0 : i32
        %dma_start3A_27 = tpu.memref_slice %arg7[%dma_start3A_26] : memref<10240xf32, #tpu.memory_space<vmem_shared>> -> memref<10240xf32, #tpu.memory_space<vmem_shared>>
        tpu.enqueue_indirect_dma source(%arg5 : memref<64xf32, #tpu.memory_space<vmem>>) target(%dma_start3A_27 : memref<10240xf32, #tpu.memory_space<vmem_shared>>) offsets(%dma_start3A_25 : memref<64xi32, #tpu.memory_space<vmem>>) semaphore(%run_scoped3A : memref<!tpu.dma_semaphore, #tpu.memory_space<semaphore_mem>>) {add = true}
        %dma_wait3A = arith.constant 0 : i32
        %dma_wait3A_28 = tpu.memref_slice %arg4[%scan3A_21, %dma_wait3A] : memref<160x64xi32, #tpu.memory_space<vmem>> -> memref<1x64xi32, #tpu.memory_space<vmem>>
        %dma_wait3A_29 = tpu.memref_squeeze %dma_wait3A_28 : memref<1x64xi32, #tpu.memory_space<vmem>> -> memref<64xi32, #tpu.memory_space<vmem>>
        %dma_wait3A_30 = arith.constant 0 : i32
        %dma_wait3A_31 = tpu.memref_slice %arg7[%dma_wait3A_30] : memref<10240xf32, #tpu.memory_space<vmem_shared>> -> memref<10240xf32, #tpu.memory_space<vmem_shared>>
        tpu.wait_indirect_dma semaphore(%run_scoped3A : memref<!tpu.dma_semaphore, #tpu.memory_space<semaphore_mem>>) src(%arg5 : memref<64xf32, #tpu.memory_space<vmem>>) dst(%dma_wait3A_31 : memref<10240xf32, #tpu.memory_space<vmem_shared>>)
        tpu.yield
      }) : () -> ()
      %scan3A_23 = arith.constant 0 : i32
      scf.yield %scan3A_23 : i32
    }
    %scan3A_17 = arith.constant 160 : i32
    %barrier3A_18 = arith.constant 0 : index
    tpu.barrier barrier_id(%barrier3A_18)
    %eq3A = arith.constant 0 : i32
    %eq3A_19 = arith.cmpi eq, %arg1, %eq3A : i32
    %convert_element_type3A = arith.extui %eq3A_19 : i1 to i32
    %cond3A = arith.constant 0 : i32
    %cond3A_20 = arith.cmpi ne, %convert_element_type3A, %cond3A : i32
    scf.if %cond3A_20 {
      %mul3A_21 = arith.constant 10240 : i32
      %mul3A_22 = arith.muli %arg0, %mul3A_21 : i32
      "tpu.region"() ({
        %run_scoped3A = tpu.sem_alloc : memref<!tpu.dma_semaphore, #tpu.memory_space<semaphore_mem>>
        %dma_start3A = tpu.memref_slice %arg3[%mul3A_22] : memref<20480xf32, #tpu.memory_space<hbm>> -> memref<10240xf32, #tpu.memory_space<hbm>>
        tpu.enqueue_dma source(%arg7 : memref<10240xf32, #tpu.memory_space<vmem_shared>>) target(%dma_start3A : memref<10240xf32, #tpu.memory_space<hbm>>) target_semaphore(%run_scoped3A : memref<!tpu.dma_semaphore, #tpu.memory_space<semaphore_mem>>)
        %dma_wait3A = tpu.memref_slice %arg3[%mul3A_22] : memref<20480xf32, #tpu.memory_space<hbm>> -> memref<10240xf32, #tpu.memory_space<hbm>>
        tpu.wait_dma2 semaphore(%run_scoped3A : memref<!tpu.dma_semaphore, #tpu.memory_space<semaphore_mem>>) src(%arg7 : memref<10240xf32, #tpu.memory_space<vmem_shared>>) dst(%dma_wait3A : memref<10240xf32, #tpu.memory_space<hbm>>)
        tpu.yield
      }) : () -> ()
    } else {
    }
    return
  }
}

#map = affine_map<(d0, d1) -> (0, 0)>
module attributes {stable_mosaic.version = 14 : i64} {
  func.func @_edge_body(%arg0: i32, %arg1: i32, %arg2: memref<20480x128xf32, #tpu.memory_space<hbm>>, %arg3: memref<10240x64xi32, #tpu.memory_space<hbm>>, %arg4: memref<5120x64xi32, #tpu.memory_space<hbm>>, %arg5: memref<20480x128xf32, #tpu.memory_space<hbm>>, %arg6: memref<64x64xi32, #tpu.memory_space<vmem>>, %arg7: memref<64x64xi32, #tpu.memory_space<vmem>>, %arg8: memref<64x128xf32, #tpu.memory_space<vmem>>, %arg9: memref<64x128xf32, #tpu.memory_space<vmem>>, %arg10: memref<64x128xf32, #tpu.memory_space<vmem>>, %arg11: memref<64x128xf32, #tpu.memory_space<vmem>>, %arg12: memref<10240x128xf32, #tpu.memory_space<vmem_shared>>, %arg13: memref<!tpu.dma_semaphore, #tpu.memory_space<semaphore_mem>>, %arg14: memref<!tpu.dma_semaphore, #tpu.memory_space<semaphore_mem>>, %arg15: memref<!tpu.dma_semaphore, #tpu.memory_space<semaphore_mem>>, %arg16: memref<!tpu.dma_semaphore, #tpu.memory_space<semaphore_mem>>, %arg17: memref<!tpu.dma_semaphore, #tpu.memory_space<semaphore_mem>>, %arg18: memref<!tpu.dma_semaphore, #tpu.memory_space<semaphore_mem>>, %arg19: memref<!tpu.dma_semaphore, #tpu.memory_space<semaphore_mem>>, %arg20: memref<!tpu.dma_semaphore, #tpu.memory_space<semaphore_mem>>) attributes {dimension_semantics = [#tpu.dimension_semantics<core_parallel>, #tpu.dimension_semantics<subcore_parallel>], iteration_bounds = array<i64: 2, 16>, scalar_prefetch = 0 : i64, scratch_operands = 15 : i64, tpu.core_type = #tpu.core_type<sc_vector_subcore>, window_params = [{transform_indices = #map}, {transform_indices = #map}, {transform_indices = #map}, {transform_indices = #map}]} {
    %mul3A = arith.constant 640 : i32
    %mul3A_0 = arith.muli %arg1, %mul3A : i32
    %mul3A_1 = arith.constant 10240 : i32
    %mul3A_2 = arith.muli %arg0, %mul3A_1 : i32
    %add3A = arith.addi %mul3A_2, %mul3A_0 : i32
    "tpu.region"() ({
      %run_scoped3A = tpu.sem_alloc : memref<!tpu.dma_semaphore, #tpu.memory_space<semaphore_mem>>
      %dma_start3A = arith.constant 0 : i32
      %dma_start3A_13 = tpu.memref_slice %arg12[%mul3A_0, %dma_start3A] : memref<10240x128xf32, #tpu.memory_space<vmem_shared>> -> memref<640x128xf32, #tpu.memory_space<vmem_shared>>
      %dma_start3A_14 = arith.constant 0 : i32
      %dma_start3A_15 = tpu.memref_slice %arg2[%add3A, %dma_start3A_14] : memref<20480x128xf32, #tpu.memory_space<hbm>> -> memref<640x128xf32, #tpu.memory_space<hbm>>
      tpu.enqueue_dma source(%dma_start3A_15 : memref<640x128xf32, #tpu.memory_space<hbm>>) target(%dma_start3A_13 : memref<640x128xf32, #tpu.memory_space<vmem_shared>>) target_semaphore(%run_scoped3A : memref<!tpu.dma_semaphore, #tpu.memory_space<semaphore_mem>>)
      %dma_wait3A = arith.constant 0 : i32
      %dma_wait3A_16 = tpu.memref_slice %arg12[%mul3A_0, %dma_wait3A] : memref<10240x128xf32, #tpu.memory_space<vmem_shared>> -> memref<640x128xf32, #tpu.memory_space<vmem_shared>>
      %dma_wait3A_17 = arith.constant 0 : i32
      %dma_wait3A_18 = tpu.memref_slice %arg2[%add3A, %dma_wait3A_17] : memref<20480x128xf32, #tpu.memory_space<hbm>> -> memref<640x128xf32, #tpu.memory_space<hbm>>
      tpu.wait_dma2 semaphore(%run_scoped3A : memref<!tpu.dma_semaphore, #tpu.memory_space<semaphore_mem>>) src(%dma_wait3A_18 : memref<640x128xf32, #tpu.memory_space<hbm>>) dst(%dma_wait3A_16 : memref<640x128xf32, #tpu.memory_space<vmem_shared>>)
      tpu.yield
    }) : () -> ()
    %barrier3A = arith.constant 0 : index
    tpu.barrier barrier_id(%barrier3A)
    %scan3A = arith.constant 0 : i32
    %scan3A_3 = arith.constant 0 : i32
    %scan3A_4 = arith.constant 5 : i32
    %scan3A_5 = arith.addi %scan3A_3, %scan3A_4 : i32
    %scan3A_6 = arith.constant 1 : i32
    %scan3A_7 = scf.for %scan3A_13 = %scan3A_3 to %scan3A_5 step %scan3A_6 iter_args(%scan3A_14 = %scan3A) -> (i32)  : i32 {
      %mul3A_15 = arith.constant 320 : i32
      %mul3A_16 = arith.muli %arg1, %mul3A_15 : i32
      %mul3A_17 = arith.constant 64 : i32
      %mul3A_18 = arith.muli %scan3A_13, %mul3A_17 : i32
      %add3A_19 = arith.addi %mul3A_16, %mul3A_18 : i32
      %mul3A_20 = arith.constant 5120 : i32
      %mul3A_21 = arith.muli %arg0, %mul3A_20 : i32
      %add3A_22 = arith.addi %mul3A_21, %add3A_19 : i32
      "tpu.region"() ({
        %run_scoped3A = tpu.sem_alloc : memref<!tpu.dma_semaphore, #tpu.memory_space<semaphore_mem>>
        %dma_start3A_57 = arith.constant 0 : i32
        %dma_start3A_58 = tpu.memref_slice %arg3[%add3A_22, %dma_start3A_57] : memref<10240x64xi32, #tpu.memory_space<hbm>> -> memref<64x64xi32, #tpu.memory_space<hbm>>
        %dma_start3A_59 = arith.constant 0 : i32
        %dma_start3A_60 = tpu.memref_slice %arg3[%add3A_22, %dma_start3A_59] : memref<10240x64xi32, #tpu.memory_space<hbm>> -> memref<64x64xi32, #tpu.memory_space<hbm>>
        tpu.enqueue_dma source(%dma_start3A_60 : memref<64x64xi32, #tpu.memory_space<hbm>>) target(%arg6 : memref<64x64xi32, #tpu.memory_space<vmem>>) target_semaphore(%run_scoped3A : memref<!tpu.dma_semaphore, #tpu.memory_space<semaphore_mem>>)
        %dma_wait3A_61 = arith.constant 0 : i32
        %dma_wait3A_62 = tpu.memref_slice %arg3[%add3A_22, %dma_wait3A_61] : memref<10240x64xi32, #tpu.memory_space<hbm>> -> memref<64x64xi32, #tpu.memory_space<hbm>>
        %dma_wait3A_63 = arith.constant 0 : i32
        %dma_wait3A_64 = tpu.memref_slice %arg3[%add3A_22, %dma_wait3A_63] : memref<10240x64xi32, #tpu.memory_space<hbm>> -> memref<64x64xi32, #tpu.memory_space<hbm>>
        tpu.wait_dma2 semaphore(%run_scoped3A : memref<!tpu.dma_semaphore, #tpu.memory_space<semaphore_mem>>) src(%dma_wait3A_64 : memref<64x64xi32, #tpu.memory_space<hbm>>) dst(%arg6 : memref<64x64xi32, #tpu.memory_space<vmem>>)
        tpu.yield
      }) : () -> ()
      "tpu.region"() ({
        %run_scoped3A = tpu.sem_alloc : memref<!tpu.dma_semaphore, #tpu.memory_space<semaphore_mem>>
        %dma_start3A_57 = arith.constant 0 : i32
        %dma_start3A_58 = tpu.memref_slice %arg4[%add3A_19, %dma_start3A_57] : memref<5120x64xi32, #tpu.memory_space<hbm>> -> memref<64x64xi32, #tpu.memory_space<hbm>>
        %dma_start3A_59 = arith.constant 0 : i32
        %dma_start3A_60 = tpu.memref_slice %arg4[%add3A_19, %dma_start3A_59] : memref<5120x64xi32, #tpu.memory_space<hbm>> -> memref<64x64xi32, #tpu.memory_space<hbm>>
        tpu.enqueue_dma source(%dma_start3A_60 : memref<64x64xi32, #tpu.memory_space<hbm>>) target(%arg7 : memref<64x64xi32, #tpu.memory_space<vmem>>) target_semaphore(%run_scoped3A : memref<!tpu.dma_semaphore, #tpu.memory_space<semaphore_mem>>)
        %dma_wait3A_61 = arith.constant 0 : i32
        %dma_wait3A_62 = tpu.memref_slice %arg4[%add3A_19, %dma_wait3A_61] : memref<5120x64xi32, #tpu.memory_space<hbm>> -> memref<64x64xi32, #tpu.memory_space<hbm>>
        %dma_wait3A_63 = arith.constant 0 : i32
        %dma_wait3A_64 = tpu.memref_slice %arg4[%add3A_19, %dma_wait3A_63] : memref<5120x64xi32, #tpu.memory_space<hbm>> -> memref<64x64xi32, #tpu.memory_space<hbm>>
        tpu.wait_dma2 semaphore(%run_scoped3A : memref<!tpu.dma_semaphore, #tpu.memory_space<semaphore_mem>>) src(%dma_wait3A_64 : memref<64x64xi32, #tpu.memory_space<hbm>>) dst(%arg7 : memref<64x64xi32, #tpu.memory_space<vmem>>)
        tpu.yield
      }) : () -> ()
      %dma_start3A = arith.constant 0 : i32
      %dma_start3A_23 = arith.constant 0 : i32
      %dma_start3A_24 = tpu.memref_slice %arg6[%dma_start3A, %dma_start3A_23] : memref<64x64xi32, #tpu.memory_space<vmem>> -> memref<1x64xi32, #tpu.memory_space<vmem>>
      %dma_start3A_25 = tpu.memref_squeeze %dma_start3A_24 : memref<1x64xi32, #tpu.memory_space<vmem>> -> memref<64xi32, #tpu.memory_space<vmem>>
      %dma_start3A_26 = arith.constant 0 : i32
      %dma_start3A_27 = arith.constant 0 : i32
      %dma_start3A_28 = tpu.memref_slice %arg2[%dma_start3A_26, %dma_start3A_27] : memref<20480x128xf32, #tpu.memory_space<hbm>> -> memref<20480x128xf32, #tpu.memory_space<hbm>>
      tpu.enqueue_indirect_dma source(%dma_start3A_28 : memref<20480x128xf32, #tpu.memory_space<hbm>>) target(%arg8 : memref<64x128xf32, #tpu.memory_space<vmem>>) offsets(%dma_start3A_25 : memref<64xi32, #tpu.memory_space<vmem>>) semaphore(%arg13 : memref<!tpu.dma_semaphore, #tpu.memory_space<semaphore_mem>>)
      %dma_start3A_29 = arith.constant 1 : i32
      %dma_start3A_30 = arith.constant 0 : i32
      %dma_start3A_31 = tpu.memref_slice %arg6[%dma_start3A_29, %dma_start3A_30] : memref<64x64xi32, #tpu.memory_space<vmem>> -> memref<1x64xi32, #tpu.memory_space<vmem>>
      %dma_start3A_32 = tpu.memref_squeeze %dma_start3A_31 : memref<1x64xi32, #tpu.memory_space<vmem>> -> memref<64xi32, #tpu.memory_space<vmem>>
      %dma_start3A_33 = arith.constant 0 : i32
      %dma_start3A_34 = arith.constant 0 : i32
      %dma_start3A_35 = tpu.memref_slice %arg2[%dma_start3A_33, %dma_start3A_34] : memref<20480x128xf32, #tpu.memory_space<hbm>> -> memref<20480x128xf32, #tpu.memory_space<hbm>>
      tpu.enqueue_indirect_dma source(%dma_start3A_35 : memref<20480x128xf32, #tpu.memory_space<hbm>>) target(%arg9 : memref<64x128xf32, #tpu.memory_space<vmem>>) offsets(%dma_start3A_32 : memref<64xi32, #tpu.memory_space<vmem>>) semaphore(%arg14 : memref<!tpu.dma_semaphore, #tpu.memory_space<semaphore_mem>>)
      %dma_start3A_36 = arith.constant 2 : i32
      %dma_start3A_37 = arith.constant 0 : i32
      %dma_start3A_38 = tpu.memref_slice %arg6[%dma_start3A_36, %dma_start3A_37] : memref<64x64xi32, #tpu.memory_space<vmem>> -> memref<1x64xi32, #tpu.memory_space<vmem>>
      %dma_start3A_39 = tpu.memref_squeeze %dma_start3A_38 : memref<1x64xi32, #tpu.memory_space<vmem>> -> memref<64xi32, #tpu.memory_space<vmem>>
      %dma_start3A_40 = arith.constant 0 : i32
      %dma_start3A_41 = arith.constant 0 : i32
      %dma_start3A_42 = tpu.memref_slice %arg2[%dma_start3A_40, %dma_start3A_41] : memref<20480x128xf32, #tpu.memory_space<hbm>> -> memref<20480x128xf32, #tpu.memory_space<hbm>>
      tpu.enqueue_indirect_dma source(%dma_start3A_42 : memref<20480x128xf32, #tpu.memory_space<hbm>>) target(%arg10 : memref<64x128xf32, #tpu.memory_space<vmem>>) offsets(%dma_start3A_39 : memref<64xi32, #tpu.memory_space<vmem>>) semaphore(%arg15 : memref<!tpu.dma_semaphore, #tpu.memory_space<semaphore_mem>>)
      %scan3A_43 = arith.constant 0 : i32
      %scan3A_44 = arith.constant 0 : i32
      %scan3A_45 = arith.constant 16 : i32
      %scan3A_46 = arith.addi %scan3A_44, %scan3A_45 : i32
      %scan3A_47 = arith.constant 1 : i32
      %scan3A_48 = scf.for %scan3A_57 = %scan3A_44 to %scan3A_46 step %scan3A_47 iter_args(%scan3A_58 = %scan3A_43) -> (i32)  : i32 {
        %mul3A_59 = arith.constant 4 : i32
        %mul3A_60 = arith.muli %mul3A_59, %scan3A_57 : i32
        %dma_wait3A_61 = arith.constant 0 : i32
        %dma_wait3A_62 = arith.constant 0 : i32
        %dma_wait3A_63 = tpu.memref_slice %arg6[%dma_wait3A_61, %dma_wait3A_62] : memref<64x64xi32, #tpu.memory_space<vmem>> -> memref<1x64xi32, #tpu.memory_space<vmem>>
        %dma_wait3A_64 = tpu.memref_squeeze %dma_wait3A_63 : memref<1x64xi32, #tpu.memory_space<vmem>> -> memref<64xi32, #tpu.memory_space<vmem>>
        %dma_wait3A_65 = arith.constant 0 : i32
        %dma_wait3A_66 = arith.constant 0 : i32
        %dma_wait3A_67 = tpu.memref_slice %arg2[%dma_wait3A_65, %dma_wait3A_66] : memref<20480x128xf32, #tpu.memory_space<hbm>> -> memref<20480x128xf32, #tpu.memory_space<hbm>>
        tpu.wait_indirect_dma semaphore(%arg13 : memref<!tpu.dma_semaphore, #tpu.memory_space<semaphore_mem>>) src(%dma_wait3A_67 : memref<20480x128xf32, #tpu.memory_space<hbm>>) dst(%arg8 : memref<64x128xf32, #tpu.memory_space<vmem>>)
        %add3A_68 = arith.constant 0 : i32
        %add3A_69 = arith.addi %mul3A_60, %add3A_68 : i32
        %dma_start3A_70 = arith.constant 0 : i32
        %dma_start3A_71 = tpu.memref_slice %arg7[%add3A_69, %dma_start3A_70] : memref<64x64xi32, #tpu.memory_space<vmem>> -> memref<1x64xi32, #tpu.memory_space<vmem>>
        %dma_start3A_72 = tpu.memref_squeeze %dma_start3A_71 : memref<1x64xi32, #tpu.memory_space<vmem>> -> memref<64xi32, #tpu.memory_space<vmem>>
        %dma_start3A_73 = arith.constant 0 : i32
        %dma_start3A_74 = arith.constant 0 : i32
        %dma_start3A_75 = tpu.memref_slice %arg12[%dma_start3A_73, %dma_start3A_74] : memref<10240x128xf32, #tpu.memory_space<vmem_shared>> -> memref<10240x128xf32, #tpu.memory_space<vmem_shared>>
        tpu.enqueue_indirect_dma source(%arg8 : memref<64x128xf32, #tpu.memory_space<vmem>>) target(%dma_start3A_75 : memref<10240x128xf32, #tpu.memory_space<vmem_shared>>) offsets(%dma_start3A_72 : memref<64xi32, #tpu.memory_space<vmem>>) semaphore(%arg17 : memref<!tpu.dma_semaphore, #tpu.memory_space<semaphore_mem>>) {add = true}
        %gt3A = arith.constant 0 : i32
        %gt3A_76 = arith.cmpi sgt, %scan3A_57, %gt3A : i32
        %convert_element_type3A = arith.extui %gt3A_76 : i1 to i32
        %cond3A = arith.constant 0 : i32
        %cond3A_77 = arith.cmpi ne, %convert_element_type3A, %cond3A : i32
        scf.if %cond3A_77 {
          %dma_wait3A_169 = arith.constant 0 : i32
          %dma_wait3A_170 = arith.constant 0 : i32
          %dma_wait3A_171 = tpu.memref_slice %arg7[%dma_wait3A_169, %dma_wait3A_170] : memref<64x64xi32, #tpu.memory_space<vmem>> -> memref<1x64xi32, #tpu.memory_space<vmem>>
          %dma_wait3A_172 = tpu.memref_squeeze %dma_wait3A_171 : memref<1x64xi32, #tpu.memory_space<vmem>> -> memref<64xi32, #tpu.memory_space<vmem>>
          %dma_wait3A_173 = arith.constant 0 : i32
          %dma_wait3A_174 = arith.constant 0 : i32
          %dma_wait3A_175 = tpu.memref_slice %arg12[%dma_wait3A_173, %dma_wait3A_174] : memref<10240x128xf32, #tpu.memory_space<vmem_shared>> -> memref<10240x128xf32, #tpu.memory_space<vmem_shared>>
          tpu.wait_indirect_dma semaphore(%arg20 : memref<!tpu.dma_semaphore, #tpu.memory_space<semaphore_mem>>) src(%arg11 : memref<64x128xf32, #tpu.memory_space<vmem>>) dst(%dma_wait3A_175 : memref<10240x128xf32, #tpu.memory_space<vmem_shared>>)
        } else {
        }
        %add3A_78 = arith.constant 0 : i32
        %add3A_79 = arith.addi %mul3A_60, %add3A_78 : i32
        %add3A_80 = arith.constant 3 : i32
        %add3A_81 = arith.addi %add3A_79, %add3A_80 : i32
        %dma_start3A_82 = arith.constant 0 : i32
        %dma_start3A_83 = tpu.memref_slice %arg6[%add3A_81, %dma_start3A_82] : memref<64x64xi32, #tpu.memory_space<vmem>> -> memref<1x64xi32, #tpu.memory_space<vmem>>
        %dma_start3A_84 = tpu.memref_squeeze %dma_start3A_83 : memref<1x64xi32, #tpu.memory_space<vmem>> -> memref<64xi32, #tpu.memory_space<vmem>>
        %dma_start3A_85 = arith.constant 0 : i32
        %dma_start3A_86 = arith.constant 0 : i32
        %dma_start3A_87 = tpu.memref_slice %arg2[%dma_start3A_85, %dma_start3A_86] : memref<20480x128xf32, #tpu.memory_space<hbm>> -> memref<20480x128xf32, #tpu.memory_space<hbm>>
        tpu.enqueue_indirect_dma source(%dma_start3A_87 : memref<20480x128xf32, #tpu.memory_space<hbm>>) target(%arg11 : memref<64x128xf32, #tpu.memory_space<vmem>>) offsets(%dma_start3A_84 : memref<64xi32, #tpu.memory_space<vmem>>) semaphore(%arg16 : memref<!tpu.dma_semaphore, #tpu.memory_space<semaphore_mem>>)
        %dma_wait3A_88 = arith.constant 0 : i32
        %dma_wait3A_89 = arith.constant 0 : i32
        %dma_wait3A_90 = tpu.memref_slice %arg6[%dma_wait3A_88, %dma_wait3A_89] : memref<64x64xi32, #tpu.memory_space<vmem>> -> memref<1x64xi32, #tpu.memory_space<vmem>>
        %dma_wait3A_91 = tpu.memref_squeeze %dma_wait3A_90 : memref<1x64xi32, #tpu.memory_space<vmem>> -> memref<64xi32, #tpu.memory_space<vmem>>
        %dma_wait3A_92 = arith.constant 0 : i32
        %dma_wait3A_93 = arith.constant 0 : i32
        %dma_wait3A_94 = tpu.memref_slice %arg2[%dma_wait3A_92, %dma_wait3A_93] : memref<20480x128xf32, #tpu.memory_space<hbm>> -> memref<20480x128xf32, #tpu.memory_space<hbm>>
        tpu.wait_indirect_dma semaphore(%arg14 : memref<!tpu.dma_semaphore, #tpu.memory_space<semaphore_mem>>) src(%dma_wait3A_94 : memref<20480x128xf32, #tpu.memory_space<hbm>>) dst(%arg9 : memref<64x128xf32, #tpu.memory_space<vmem>>)
        %add3A_95 = arith.constant 1 : i32
        %add3A_96 = arith.addi %mul3A_60, %add3A_95 : i32
        %dma_start3A_97 = arith.constant 0 : i32
        %dma_start3A_98 = tpu.memref_slice %arg7[%add3A_96, %dma_start3A_97] : memref<64x64xi32, #tpu.memory_space<vmem>> -> memref<1x64xi32, #tpu.memory_space<vmem>>
        %dma_start3A_99 = tpu.memref_squeeze %dma_start3A_98 : memref<1x64xi32, #tpu.memory_space<vmem>> -> memref<64xi32, #tpu.memory_space<vmem>>
        %dma_start3A_100 = arith.constant 0 : i32
        %dma_start3A_101 = arith.constant 0 : i32
        %dma_start3A_102 = tpu.memref_slice %arg12[%dma_start3A_100, %dma_start3A_101] : memref<10240x128xf32, #tpu.memory_space<vmem_shared>> -> memref<10240x128xf32, #tpu.memory_space<vmem_shared>>
        tpu.enqueue_indirect_dma source(%arg9 : memref<64x128xf32, #tpu.memory_space<vmem>>) target(%dma_start3A_102 : memref<10240x128xf32, #tpu.memory_space<vmem_shared>>) offsets(%dma_start3A_99 : memref<64xi32, #tpu.memory_space<vmem>>) semaphore(%arg18 : memref<!tpu.dma_semaphore, #tpu.memory_space<semaphore_mem>>) {add = true}
        %dma_wait3A_103 = arith.constant 0 : i32
        %dma_wait3A_104 = arith.constant 0 : i32
        %dma_wait3A_105 = tpu.memref_slice %arg7[%dma_wait3A_103, %dma_wait3A_104] : memref<64x64xi32, #tpu.memory_space<vmem>> -> memref<1x64xi32, #tpu.memory_space<vmem>>
        %dma_wait3A_106 = tpu.memref_squeeze %dma_wait3A_105 : memref<1x64xi32, #tpu.memory_space<vmem>> -> memref<64xi32, #tpu.memory_space<vmem>>
        %dma_wait3A_107 = arith.constant 0 : i32
        %dma_wait3A_108 = arith.constant 0 : i32
        %dma_wait3A_109 = tpu.memref_slice %arg12[%dma_wait3A_107, %dma_wait3A_108] : memref<10240x128xf32, #tpu.memory_space<vmem_shared>> -> memref<10240x128xf32, #tpu.memory_space<vmem_shared>>
        tpu.wait_indirect_dma semaphore(%arg17 : memref<!tpu.dma_semaphore, #tpu.memory_space<semaphore_mem>>) src(%arg8 : memref<64x128xf32, #tpu.memory_space<vmem>>) dst(%dma_wait3A_109 : memref<10240x128xf32, #tpu.memory_space<vmem_shared>>)
        %lt3A = arith.constant 15 : i32
        %lt3A_110 = arith.cmpi slt, %scan3A_57, %lt3A : i32
        %convert_element_type3A_111 = arith.extui %lt3A_110 : i1 to i32
        %cond3A_112 = arith.constant 0 : i32
        %cond3A_113 = arith.cmpi ne, %convert_element_type3A_111, %cond3A_112 : i32
        scf.if %cond3A_113 {
          %add3A_169 = arith.constant 1 : i32
          %add3A_170 = arith.addi %mul3A_60, %add3A_169 : i32
          %add3A_171 = arith.constant 3 : i32
          %add3A_172 = arith.addi %add3A_170, %add3A_171 : i32
          %dma_start3A_173 = arith.constant 0 : i32
          %dma_start3A_174 = tpu.memref_slice %arg6[%add3A_172, %dma_start3A_173] : memref<64x64xi32, #tpu.memory_space<vmem>> -> memref<1x64xi32, #tpu.memory_space<vmem>>
          %dma_start3A_175 = tpu.memref_squeeze %dma_start3A_174 : memref<1x64xi32, #tpu.memory_space<vmem>> -> memref<64xi32, #tpu.memory_space<vmem>>
          %dma_start3A_176 = arith.constant 0 : i32
          %dma_start3A_177 = arith.constant 0 : i32
          %dma_start3A_178 = tpu.memref_slice %arg2[%dma_start3A_176, %dma_start3A_177] : memref<20480x128xf32, #tpu.memory_space<hbm>> -> memref<20480x128xf32, #tpu.memory_space<hbm>>
          tpu.enqueue_indirect_dma source(%dma_start3A_178 : memref<20480x128xf32, #tpu.memory_space<hbm>>) target(%arg8 : memref<64x128xf32, #tpu.memory_space<vmem>>) offsets(%dma_start3A_175 : memref<64xi32, #tpu.memory_space<vmem>>) semaphore(%arg13 : memref<!tpu.dma_semaphore, #tpu.memory_space<semaphore_mem>>)
        } else {
        }
        %dma_wait3A_114 = arith.constant 0 : i32
        %dma_wait3A_115 = arith.constant 0 : i32
        %dma_wait3A_116 = tpu.memref_slice %arg6[%dma_wait3A_114, %dma_wait3A_115] : memref<64x64xi32, #tpu.memory_space<vmem>> -> memref<1x64xi32, #tpu.memory_space<vmem>>
        %dma_wait3A_117 = tpu.memref_squeeze %dma_wait3A_116 : memref<1x64xi32, #tpu.memory_space<vmem>> -> memref<64xi32, #tpu.memory_space<vmem>>
        %dma_wait3A_118 = arith.constant 0 : i32
        %dma_wait3A_119 = arith.constant 0 : i32
        %dma_wait3A_120 = tpu.memref_slice %arg2[%dma_wait3A_118, %dma_wait3A_119] : memref<20480x128xf32, #tpu.memory_space<hbm>> -> memref<20480x128xf32, #tpu.memory_space<hbm>>
        tpu.wait_indirect_dma semaphore(%arg15 : memref<!tpu.dma_semaphore, #tpu.memory_space<semaphore_mem>>) src(%dma_wait3A_120 : memref<20480x128xf32, #tpu.memory_space<hbm>>) dst(%arg10 : memref<64x128xf32, #tpu.memory_space<vmem>>)
        %add3A_121 = arith.constant 2 : i32
        %add3A_122 = arith.addi %mul3A_60, %add3A_121 : i32
        %dma_start3A_123 = arith.constant 0 : i32
        %dma_start3A_124 = tpu.memref_slice %arg7[%add3A_122, %dma_start3A_123] : memref<64x64xi32, #tpu.memory_space<vmem>> -> memref<1x64xi32, #tpu.memory_space<vmem>>
        %dma_start3A_125 = tpu.memref_squeeze %dma_start3A_124 : memref<1x64xi32, #tpu.memory_space<vmem>> -> memref<64xi32, #tpu.memory_space<vmem>>
        %dma_start3A_126 = arith.constant 0 : i32
        %dma_start3A_127 = arith.constant 0 : i32
        %dma_start3A_128 = tpu.memref_slice %arg12[%dma_start3A_126, %dma_start3A_127] : memref<10240x128xf32, #tpu.memory_space<vmem_shared>> -> memref<10240x128xf32, #tpu.memory_space<vmem_shared>>
        tpu.enqueue_indirect_dma source(%arg10 : memref<64x128xf32, #tpu.memory_space<vmem>>) target(%dma_start3A_128 : memref<10240x128xf32, #tpu.memory_space<vmem_shared>>) offsets(%dma_start3A_125 : memref<64xi32, #tpu.memory_space<vmem>>) semaphore(%arg19 : memref<!tpu.dma_semaphore, #tpu.memory_space<semaphore_mem>>) {add = true}
        %dma_wait3A_129 = arith.constant 0 : i32
        %dma_wait3A_130 = arith.constant 0 : i32
        %dma_wait3A_131 = tpu.memref_slice %arg7[%dma_wait3A_129, %dma_wait3A_130] : memref<64x64xi32, #tpu.memory_space<vmem>> -> memref<1x64xi32, #tpu.memory_space<vmem>>
        %dma_wait3A_132 = tpu.memref_squeeze %dma_wait3A_131 : memref<1x64xi32, #tpu.memory_space<vmem>> -> memref<64xi32, #tpu.memory_space<vmem>>
        %dma_wait3A_133 = arith.constant 0 : i32
        %dma_wait3A_134 = arith.constant 0 : i32
        %dma_wait3A_135 = tpu.memref_slice %arg12[%dma_wait3A_133, %dma_wait3A_134] : memref<10240x128xf32, #tpu.memory_space<vmem_shared>> -> memref<10240x128xf32, #tpu.memory_space<vmem_shared>>
        tpu.wait_indirect_dma semaphore(%arg18 : memref<!tpu.dma_semaphore, #tpu.memory_space<semaphore_mem>>) src(%arg9 : memref<64x128xf32, #tpu.memory_space<vmem>>) dst(%dma_wait3A_135 : memref<10240x128xf32, #tpu.memory_space<vmem_shared>>)
        %lt3A_136 = arith.constant 15 : i32
        %lt3A_137 = arith.cmpi slt, %scan3A_57, %lt3A_136 : i32
        %convert_element_type3A_138 = arith.extui %lt3A_137 : i1 to i32
        %cond3A_139 = arith.constant 0 : i32
        %cond3A_140 = arith.cmpi ne, %convert_element_type3A_138, %cond3A_139 : i32
        scf.if %cond3A_140 {
          %add3A_169 = arith.constant 2 : i32
          %add3A_170 = arith.addi %mul3A_60, %add3A_169 : i32
          %add3A_171 = arith.constant 3 : i32
          %add3A_172 = arith.addi %add3A_170, %add3A_171 : i32
          %dma_start3A_173 = arith.constant 0 : i32
          %dma_start3A_174 = tpu.memref_slice %arg6[%add3A_172, %dma_start3A_173] : memref<64x64xi32, #tpu.memory_space<vmem>> -> memref<1x64xi32, #tpu.memory_space<vmem>>
          %dma_start3A_175 = tpu.memref_squeeze %dma_start3A_174 : memref<1x64xi32, #tpu.memory_space<vmem>> -> memref<64xi32, #tpu.memory_space<vmem>>
          %dma_start3A_176 = arith.constant 0 : i32
          %dma_start3A_177 = arith.constant 0 : i32
          %dma_start3A_178 = tpu.memref_slice %arg2[%dma_start3A_176, %dma_start3A_177] : memref<20480x128xf32, #tpu.memory_space<hbm>> -> memref<20480x128xf32, #tpu.memory_space<hbm>>
          tpu.enqueue_indirect_dma source(%dma_start3A_178 : memref<20480x128xf32, #tpu.memory_space<hbm>>) target(%arg9 : memref<64x128xf32, #tpu.memory_space<vmem>>) offsets(%dma_start3A_175 : memref<64xi32, #tpu.memory_space<vmem>>) semaphore(%arg14 : memref<!tpu.dma_semaphore, #tpu.memory_space<semaphore_mem>>)
        } else {
        }
        %dma_wait3A_141 = arith.constant 0 : i32
        %dma_wait3A_142 = arith.constant 0 : i32
        %dma_wait3A_143 = tpu.memref_slice %arg6[%dma_wait3A_141, %dma_wait3A_142] : memref<64x64xi32, #tpu.memory_space<vmem>> -> memref<1x64xi32, #tpu.memory_space<vmem>>
        %dma_wait3A_144 = tpu.memref_squeeze %dma_wait3A_143 : memref<1x64xi32, #tpu.memory_space<vmem>> -> memref<64xi32, #tpu.memory_space<vmem>>
        %dma_wait3A_145 = arith.constant 0 : i32
        %dma_wait3A_146 = arith.constant 0 : i32
        %dma_wait3A_147 = tpu.memref_slice %arg2[%dma_wait3A_145, %dma_wait3A_146] : memref<20480x128xf32, #tpu.memory_space<hbm>> -> memref<20480x128xf32, #tpu.memory_space<hbm>>
        tpu.wait_indirect_dma semaphore(%arg16 : memref<!tpu.dma_semaphore, #tpu.memory_space<semaphore_mem>>) src(%dma_wait3A_147 : memref<20480x128xf32, #tpu.memory_space<hbm>>) dst(%arg11 : memref<64x128xf32, #tpu.memory_space<vmem>>)
        %add3A_148 = arith.constant 3 : i32
        %add3A_149 = arith.addi %mul3A_60, %add3A_148 : i32
        %dma_start3A_150 = arith.constant 0 : i32
        %dma_start3A_151 = tpu.memref_slice %arg7[%add3A_149, %dma_start3A_150] : memref<64x64xi32, #tpu.memory_space<vmem>> -> memref<1x64xi32, #tpu.memory_space<vmem>>
        %dma_start3A_152 = tpu.memref_squeeze %dma_start3A_151 : memref<1x64xi32, #tpu.memory_space<vmem>> -> memref<64xi32, #tpu.memory_space<vmem>>
        %dma_start3A_153 = arith.constant 0 : i32
        %dma_start3A_154 = arith.constant 0 : i32
        %dma_start3A_155 = tpu.memref_slice %arg12[%dma_start3A_153, %dma_start3A_154] : memref<10240x128xf32, #tpu.memory_space<vmem_shared>> -> memref<10240x128xf32, #tpu.memory_space<vmem_shared>>
        tpu.enqueue_indirect_dma source(%arg11 : memref<64x128xf32, #tpu.memory_space<vmem>>) target(%dma_start3A_155 : memref<10240x128xf32, #tpu.memory_space<vmem_shared>>) offsets(%dma_start3A_152 : memref<64xi32, #tpu.memory_space<vmem>>) semaphore(%arg20 : memref<!tpu.dma_semaphore, #tpu.memory_space<semaphore_mem>>) {add = true}
        %dma_wait3A_156 = arith.constant 0 : i32
        %dma_wait3A_157 = arith.constant 0 : i32
        %dma_wait3A_158 = tpu.memref_slice %arg7[%dma_wait3A_156, %dma_wait3A_157] : memref<64x64xi32, #tpu.memory_space<vmem>> -> memref<1x64xi32, #tpu.memory_space<vmem>>
        %dma_wait3A_159 = tpu.memref_squeeze %dma_wait3A_158 : memref<1x64xi32, #tpu.memory_space<vmem>> -> memref<64xi32, #tpu.memory_space<vmem>>
        %dma_wait3A_160 = arith.constant 0 : i32
        %dma_wait3A_161 = arith.constant 0 : i32
        %dma_wait3A_162 = tpu.memref_slice %arg12[%dma_wait3A_160, %dma_wait3A_161] : memref<10240x128xf32, #tpu.memory_space<vmem_shared>> -> memref<10240x128xf32, #tpu.memory_space<vmem_shared>>
        tpu.wait_indirect_dma semaphore(%arg19 : memref<!tpu.dma_semaphore, #tpu.memory_space<semaphore_mem>>) src(%arg10 : memref<64x128xf32, #tpu.memory_space<vmem>>) dst(%dma_wait3A_162 : memref<10240x128xf32, #tpu.memory_space<vmem_shared>>)
        %lt3A_163 = arith.constant 15 : i32
        %lt3A_164 = arith.cmpi slt, %scan3A_57, %lt3A_163 : i32
        %convert_element_type3A_165 = arith.extui %lt3A_164 : i1 to i32
        %cond3A_166 = arith.constant 0 : i32
        %cond3A_167 = arith.cmpi ne, %convert_element_type3A_165, %cond3A_166 : i32
        scf.if %cond3A_167 {
          %add3A_169 = arith.constant 3 : i32
          %add3A_170 = arith.addi %mul3A_60, %add3A_169 : i32
          %add3A_171 = arith.constant 3 : i32
          %add3A_172 = arith.addi %add3A_170, %add3A_171 : i32
          %dma_start3A_173 = arith.constant 0 : i32
          %dma_start3A_174 = tpu.memref_slice %arg6[%add3A_172, %dma_start3A_173] : memref<64x64xi32, #tpu.memory_space<vmem>> -> memref<1x64xi32, #tpu.memory_space<vmem>>
          %dma_start3A_175 = tpu.memref_squeeze %dma_start3A_174 : memref<1x64xi32, #tpu.memory_space<vmem>> -> memref<64xi32, #tpu.memory_space<vmem>>
          %dma_start3A_176 = arith.constant 0 : i32
          %dma_start3A_177 = arith.constant 0 : i32
          %dma_start3A_178 = tpu.memref_slice %arg2[%dma_start3A_176, %dma_start3A_177] : memref<20480x128xf32, #tpu.memory_space<hbm>> -> memref<20480x128xf32, #tpu.memory_space<hbm>>
          tpu.enqueue_indirect_dma source(%dma_start3A_178 : memref<20480x128xf32, #tpu.memory_space<hbm>>) target(%arg10 : memref<64x128xf32, #tpu.memory_space<vmem>>) offsets(%dma_start3A_175 : memref<64xi32, #tpu.memory_space<vmem>>) semaphore(%arg15 : memref<!tpu.dma_semaphore, #tpu.memory_space<semaphore_mem>>)
        } else {
        }
        %scan3A_168 = arith.constant 0 : i32
        scf.yield %scan3A_168 : i32
      }
      %scan3A_49 = arith.constant 16 : i32
      %dma_wait3A = arith.constant 0 : i32
      %dma_wait3A_50 = arith.constant 0 : i32
      %dma_wait3A_51 = tpu.memref_slice %arg7[%dma_wait3A, %dma_wait3A_50] : memref<64x64xi32, #tpu.memory_space<vmem>> -> memref<1x64xi32, #tpu.memory_space<vmem>>
      %dma_wait3A_52 = tpu.memref_squeeze %dma_wait3A_51 : memref<1x64xi32, #tpu.memory_space<vmem>> -> memref<64xi32, #tpu.memory_space<vmem>>
      %dma_wait3A_53 = arith.constant 0 : i32
      %dma_wait3A_54 = arith.constant 0 : i32
      %dma_wait3A_55 = tpu.memref_slice %arg12[%dma_wait3A_53, %dma_wait3A_54] : memref<10240x128xf32, #tpu.memory_space<vmem_shared>> -> memref<10240x128xf32, #tpu.memory_space<vmem_shared>>
      tpu.wait_indirect_dma semaphore(%arg20 : memref<!tpu.dma_semaphore, #tpu.memory_space<semaphore_mem>>) src(%arg11 : memref<64x128xf32, #tpu.memory_space<vmem>>) dst(%dma_wait3A_55 : memref<10240x128xf32, #tpu.memory_space<vmem_shared>>)
      %scan3A_56 = arith.constant 0 : i32
      scf.yield %scan3A_56 : i32
    }
    %scan3A_8 = arith.constant 5 : i32
    %barrier3A_9 = arith.constant 0 : index
    tpu.barrier barrier_id(%barrier3A_9)
    %mul3A_10 = arith.constant 10240 : i32
    %mul3A_11 = arith.muli %arg0, %mul3A_10 : i32
    %add3A_12 = arith.addi %mul3A_11, %mul3A_0 : i32
    "tpu.region"() ({
      %run_scoped3A = tpu.sem_alloc : memref<!tpu.dma_semaphore, #tpu.memory_space<semaphore_mem>>
      %dma_start3A = arith.constant 0 : i32
      %dma_start3A_13 = tpu.memref_slice %arg5[%add3A_12, %dma_start3A] : memref<20480x128xf32, #tpu.memory_space<hbm>> -> memref<640x128xf32, #tpu.memory_space<hbm>>
      %dma_start3A_14 = arith.constant 0 : i32
      %dma_start3A_15 = tpu.memref_slice %arg12[%mul3A_0, %dma_start3A_14] : memref<10240x128xf32, #tpu.memory_space<vmem_shared>> -> memref<640x128xf32, #tpu.memory_space<vmem_shared>>
      tpu.enqueue_dma source(%dma_start3A_15 : memref<640x128xf32, #tpu.memory_space<vmem_shared>>) target(%dma_start3A_13 : memref<640x128xf32, #tpu.memory_space<hbm>>) target_semaphore(%run_scoped3A : memref<!tpu.dma_semaphore, #tpu.memory_space<semaphore_mem>>)
      %dma_wait3A = arith.constant 0 : i32
      %dma_wait3A_16 = tpu.memref_slice %arg5[%add3A_12, %dma_wait3A] : memref<20480x128xf32, #tpu.memory_space<hbm>> -> memref<640x128xf32, #tpu.memory_space<hbm>>
      %dma_wait3A_17 = arith.constant 0 : i32
      %dma_wait3A_18 = tpu.memref_slice %arg12[%mul3A_0, %dma_wait3A_17] : memref<10240x128xf32, #tpu.memory_space<vmem_shared>> -> memref<640x128xf32, #tpu.memory_space<vmem_shared>>
      tpu.wait_dma2 semaphore(%run_scoped3A : memref<!tpu.dma_semaphore, #tpu.memory_space<semaphore_mem>>) src(%dma_wait3A_18 : memref<640x128xf32, #tpu.memory_space<vmem_shared>>) dst(%dma_wait3A_16 : memref<640x128xf32, #tpu.memory_space<hbm>>)
      tpu.yield
    }) : () -> ()
    return
  }
}

module attributes {stable_mosaic.version = 14 : i64} {
  func.func @_mm1_body(%arg0: i32, %arg1: i32, %arg2: memref<400x128xf32, #tpu.memory_space<vmem>>, %arg3: memref<128x128xf32, #tpu.memory_space<vmem>>, %arg4: memref<1x400x128xf32, #tpu.memory_space<vmem>>) attributes {dimension_semantics = [#tpu.dimension_semantics<arbitrary>, #tpu.dimension_semantics<arbitrary>], iteration_bounds = array<i64: 2, 25>, scalar_prefetch = 0 : i64, scratch_operands = 0 : i64, tpu.core_type = #tpu.core_type<tc>, window_params = [{transform_indices = @transform_0, window_bounds = array<i64: 400, 128>}, {transform_indices = @transform_1, window_bounds = array<i64: 128, 128>}, {transform_indices = @transform_2, window_bounds = array<i64: 1, 400, 128>}]} {
    %get3A = arith.constant 0 : index
    %get3A_0 = arith.constant 0 : index
    %get3A_1 = vector.load %arg2[%get3A, %get3A_0] : memref<400x128xf32, #tpu.memory_space<vmem>>, vector<400x128xf32>
    %get3A_2 = arith.constant 0 : index
    %get3A_3 = arith.constant 0 : index
    %get3A_4 = vector.load %arg3[%get3A_2, %get3A_3] : memref<128x128xf32, #tpu.memory_space<vmem>>, vector<128x128xf32>
    %dot_general3A = arith.constant dense<0.000000e+00> : vector<400x128xf32>
    %dot_general3A_5 = tpu.matmul %get3A_1, %get3A_4, %dot_general3A {dimension_numbers = #tpu.dot_dimension_numbers<[1], [0], [0], [1], [0, 0, 1, 1], [], []>, transpose_lhs_hint = false} : vector<400x128xf32>, vector<128x128xf32>, vector<400x128xf32> -> vector<400x128xf32>
    %swap3A = arith.constant 0 : index
    %swap3A_6 = arith.constant 0 : index
    %swap3A_7 = arith.constant 0 : index
    %swap3A_8 = vector.load %arg4[%swap3A, %swap3A_6, %swap3A_7] : memref<1x400x128xf32, #tpu.memory_space<vmem>>, vector<1x400x128xf32>
    %swap3A_9 = vector.shape_cast %swap3A_8 : vector<1x400x128xf32> to vector<400x128xf32>
    %swap3A_10 = vector.shape_cast %dot_general3A_5 : vector<400x128xf32> to vector<1x400x128xf32>
    tpu.vector_store %arg4[%swap3A, %swap3A_6, %swap3A_7], %swap3A_10 {strides = array<i32>} : memref<1x400x128xf32, #tpu.memory_space<vmem>>, vector<1x400x128xf32>,
    return
  }
  func.func @transform_0(%arg0: i32, %arg1: i32) -> (i32, i32) {
    %c0_i32 = arith.constant 0 : i32
    %c0_i32_0 = arith.constant 0 : i32
    return %arg1, %c0_i32 : i32, i32
  }
  func.func @transform_1(%arg0: i32, %arg1: i32) -> (i32, i32) {
    %c0_i32 = arith.constant 0 : i32
    %c0_i32_0 = arith.constant 0 : i32
    return %c0_i32, %arg0 : i32, i32
  }
  func.func @transform_2(%arg0: i32, %arg1: i32) -> (i32, i32, i32) {
    %c0_i32 = arith.constant 0 : i32
    %c0_i32_0 = arith.constant 0 : i32
    return %arg0, %arg1, %c0_i32 : i32, i32, i32
  }
}

module attributes {stable_mosaic.version = 14 : i64} {
  func.func @_dinv_body(%arg0: i32, %arg1: memref<2x400x1xf32, #tpu.memory_space<vmem>>, %arg2: memref<400x1xf32, #tpu.memory_space<vmem>>) attributes {dimension_semantics = [#tpu.dimension_semantics<arbitrary>], iteration_bounds = array<i64: 25>, scalar_prefetch = 0 : i64, scratch_operands = 0 : i64, tpu.core_type = #tpu.core_type<tc>, window_params = [{transform_indices = @transform_0, window_bounds = array<i64: 2, 400, 1>}, {transform_indices = @transform_1, window_bounds = array<i64: 400, 1>}]} {
    %get3A = arith.constant 0 : index
    %get3A_0 = arith.constant 0 : index
    %get3A_1 = arith.constant 0 : index
    %get3A_2 = vector.load %arg1[%get3A, %get3A_0, %get3A_1] : memref<2x400x1xf32, #tpu.memory_space<vmem>>, vector<1x400x1xf32>
    %get3A_3 = vector.shape_cast %get3A_2 : vector<1x400x1xf32> to vector<400x1xf32>
    %get3A_4 = arith.constant 1 : index
    %get3A_5 = arith.constant 0 : index
    %get3A_6 = arith.constant 0 : index
    %get3A_7 = vector.load %arg1[%get3A_4, %get3A_5, %get3A_6] : memref<2x400x1xf32, #tpu.memory_space<vmem>>, vector<1x400x1xf32>
    %get3A_8 = vector.shape_cast %get3A_7 : vector<1x400x1xf32> to vector<400x1xf32>
    %add3A = arith.addf %get3A_3, %get3A_8 : vector<400x1xf32>
    %add3A_9 = arith.constant 1.000000e+00 : f32
    %add3A_10 = vector.broadcast %add3A_9 : f32 to vector<400x1xf32>
    %add3A_11 = arith.addf %add3A, %add3A_10 : vector<400x1xf32>
    %rsqrt3A = math.rsqrt %add3A_11 : vector<400x1xf32>
    %swap3A = arith.constant 0 : index
    %swap3A_12 = arith.constant 0 : index
    %swap3A_13 = vector.load %arg2[%swap3A, %swap3A_12] : memref<400x1xf32, #tpu.memory_space<vmem>>, vector<400x1xf32>
    tpu.vector_store %arg2[%swap3A, %swap3A_12], %rsqrt3A {strides = array<i32>} : memref<400x1xf32, #tpu.memory_space<vmem>>, vector<400x1xf32>,
    return
  }
  func.func @transform_0(%arg0: i32) -> (i32, i32, i32) {
    %c0_i32 = arith.constant 0 : i32
    %c0_i32_0 = arith.constant 0 : i32
    %c0_i32_1 = arith.constant 0 : i32
    return %c0_i32, %arg0, %c0_i32_0 : i32, i32, i32
  }
  func.func @transform_1(%arg0: i32) -> (i32, i32) {
    %c0_i32 = arith.constant 0 : i32
    %c0_i32_0 = arith.constant 0 : i32
    return %arg0, %c0_i32 : i32, i32
  }
}

module attributes {stable_mosaic.version = 14 : i64} {
  func.func @_scale_body(%arg0: i32, %arg1: i32, %arg2: memref<1x400x128xf32, #tpu.memory_space<vmem>>, %arg3: memref<400x1xf32, #tpu.memory_space<vmem>>, %arg4: memref<1x400x128xf32, #tpu.memory_space<vmem>>) attributes {dimension_semantics = [#tpu.dimension_semantics<arbitrary>, #tpu.dimension_semantics<arbitrary>], iteration_bounds = array<i64: 2, 25>, scalar_prefetch = 0 : i64, scratch_operands = 0 : i64, tpu.core_type = #tpu.core_type<tc>, window_params = [{transform_indices = @transform_0, window_bounds = array<i64: 1, 400, 128>}, {transform_indices = @transform_1, window_bounds = array<i64: 400, 1>}, {transform_indices = @transform_2, window_bounds = array<i64: 1, 400, 128>}]} {
    %get3A = arith.constant 0 : index
    %get3A_0 = arith.constant 0 : index
    %get3A_1 = arith.constant 0 : index
    %get3A_2 = vector.load %arg2[%get3A, %get3A_0, %get3A_1] : memref<1x400x128xf32, #tpu.memory_space<vmem>>, vector<1x400x128xf32>
    %get3A_3 = vector.shape_cast %get3A_2 : vector<1x400x128xf32> to vector<400x128xf32>
    %get3A_4 = arith.constant 0 : index
    %get3A_5 = arith.constant 0 : index
    %get3A_6 = vector.load %arg3[%get3A_4, %get3A_5] : memref<400x1xf32, #tpu.memory_space<vmem>>, vector<400x1xf32>
    %mul3A = vector.broadcast %get3A_6 : vector<400x1xf32> to vector<400x128xf32>
    %mul3A_7 = arith.mulf %get3A_3, %mul3A : vector<400x128xf32>
    %swap3A = arith.constant 0 : index
    %swap3A_8 = arith.constant 0 : index
    %swap3A_9 = arith.constant 0 : index
    %swap3A_10 = vector.load %arg4[%swap3A, %swap3A_8, %swap3A_9] : memref<1x400x128xf32, #tpu.memory_space<vmem>>, vector<1x400x128xf32>
    %swap3A_11 = vector.shape_cast %swap3A_10 : vector<1x400x128xf32> to vector<400x128xf32>
    %swap3A_12 = vector.shape_cast %mul3A_7 : vector<400x128xf32> to vector<1x400x128xf32>
    tpu.vector_store %arg4[%swap3A, %swap3A_8, %swap3A_9], %swap3A_12 {strides = array<i32>} : memref<1x400x128xf32, #tpu.memory_space<vmem>>, vector<1x400x128xf32>,
    return
  }
  func.func @transform_0(%arg0: i32, %arg1: i32) -> (i32, i32, i32) {
    %c0_i32 = arith.constant 0 : i32
    %c0_i32_0 = arith.constant 0 : i32
    return %arg0, %arg1, %c0_i32 : i32, i32, i32
  }
  func.func @transform_1(%arg0: i32, %arg1: i32) -> (i32, i32) {
    %c0_i32 = arith.constant 0 : i32
    %c0_i32_0 = arith.constant 0 : i32
    return %arg1, %c0_i32 : i32, i32
  }
  func.func @transform_2(%arg0: i32, %arg1: i32) -> (i32, i32, i32) {
    %c0_i32 = arith.constant 0 : i32
    %c0_i32_0 = arith.constant 0 : i32
    return %arg0, %arg1, %c0_i32 : i32, i32, i32
  }
}

module attributes {stable_mosaic.version = 14 : i64} {
  func.func @_layer2_body(%arg0: i32, %arg1: i32, %arg2: memref<2x400x128xf32, #tpu.memory_space<vmem>>, %arg3: memref<400x1xf32, #tpu.memory_space<vmem>>, %arg4: memref<1x256xf32, #tpu.memory_space<vmem>>, %arg5: memref<256x128xf32, #tpu.memory_space<vmem>>, %arg6: memref<1x400x128xf32, #tpu.memory_space<vmem>>) attributes {dimension_semantics = [#tpu.dimension_semantics<arbitrary>, #tpu.dimension_semantics<arbitrary>], iteration_bounds = array<i64: 2, 25>, scalar_prefetch = 0 : i64, scratch_operands = 0 : i64, tpu.core_type = #tpu.core_type<tc>, window_params = [{transform_indices = @transform_0, window_bounds = array<i64: 2, 400, 128>}, {transform_indices = @transform_1, window_bounds = array<i64: 400, 1>}, {pipeline_mode = #tpu.pipeline_mode<synchronous>, transform_indices = @transform_2, window_bounds = array<i64: 1, 256>}, {transform_indices = @transform_3, window_bounds = array<i64: 256, 128>}, {transform_indices = @transform_4, window_bounds = array<i64: 1, 400, 128>}]} {
    %get3A = arith.constant 0 : index
    %get3A_0 = arith.constant 0 : index
    %get3A_1 = vector.load %arg3[%get3A, %get3A_0] : memref<400x1xf32, #tpu.memory_space<vmem>>, vector<400x1xf32>
    %get3A_2 = arith.constant 0 : index
    %get3A_3 = arith.constant 0 : index
    %get3A_4 = arith.constant 0 : index
    %get3A_5 = vector.load %arg2[%get3A_2, %get3A_3, %get3A_4] : memref<2x400x128xf32, #tpu.memory_space<vmem>>, vector<1x400x128xf32>
    %get3A_6 = vector.shape_cast %get3A_5 : vector<1x400x128xf32> to vector<400x128xf32>
    %get3A_7 = arith.constant 1 : index
    %get3A_8 = arith.constant 0 : index
    %get3A_9 = arith.constant 0 : index
    %get3A_10 = vector.load %arg2[%get3A_7, %get3A_8, %get3A_9] : memref<2x400x128xf32, #tpu.memory_space<vmem>>, vector<1x400x128xf32>
    %get3A_11 = vector.shape_cast %get3A_10 : vector<1x400x128xf32> to vector<400x128xf32>
    %concatenate3A = tpu.concatenate %get3A_6, %get3A_11 in 1 : vector<400x128xf32>, vector<400x128xf32> -> vector<400x256xf32>
    %mul3A = vector.broadcast %get3A_1 : vector<400x1xf32> to vector<400x256xf32>
    %mul3A_12 = arith.mulf %concatenate3A, %mul3A : vector<400x256xf32>
    %get3A_13 = arith.constant 0 : index
    %get3A_14 = arith.constant 0 : index
    %get3A_15 = vector.load %arg4[%get3A_13, %get3A_14] : memref<1x256xf32, #tpu.memory_space<vmem>>, vector<1x256xf32>
    %add3A = vector.broadcast %get3A_15 : vector<1x256xf32> to vector<400x256xf32>
    %add3A_16 = arith.addf %mul3A_12, %add3A : vector<400x256xf32>
    %max3A = arith.constant 0.000000e+00 : f32
    %max3A_17 = vector.broadcast %max3A : f32 to vector<400x256xf32>
    %max3A_18 = arith.maximumf %add3A_16, %max3A_17 : vector<400x256xf32>
    %get3A_19 = arith.constant 0 : index
    %get3A_20 = arith.constant 0 : index
    %get3A_21 = vector.load %arg5[%get3A_19, %get3A_20] : memref<256x128xf32, #tpu.memory_space<vmem>>, vector<256x128xf32>
    %dot_general3A = arith.constant dense<0.000000e+00> : vector<400x128xf32>
    %dot_general3A_22 = tpu.matmul %max3A_18, %get3A_21, %dot_general3A {dimension_numbers = #tpu.dot_dimension_numbers<[1], [0], [0], [1], [0, 0, 1, 1], [], []>, transpose_lhs_hint = false} : vector<400x256xf32>, vector<256x128xf32>, vector<400x128xf32> -> vector<400x128xf32>
    %mul3A_23 = vector.broadcast %get3A_1 : vector<400x1xf32> to vector<400x128xf32>
    %mul3A_24 = arith.mulf %dot_general3A_22, %mul3A_23 : vector<400x128xf32>
    %swap3A = arith.constant 0 : index
    %swap3A_25 = arith.constant 0 : index
    %swap3A_26 = arith.constant 0 : index
    %swap3A_27 = vector.load %arg6[%swap3A, %swap3A_25, %swap3A_26] : memref<1x400x128xf32, #tpu.memory_space<vmem>>, vector<1x400x128xf32>
    %swap3A_28 = vector.shape_cast %swap3A_27 : vector<1x400x128xf32> to vector<400x128xf32>
    %swap3A_29 = vector.shape_cast %mul3A_24 : vector<400x128xf32> to vector<1x400x128xf32>
    tpu.vector_store %arg6[%swap3A, %swap3A_25, %swap3A_26], %swap3A_29 {strides = array<i32>} : memref<1x400x128xf32, #tpu.memory_space<vmem>>, vector<1x400x128xf32>,
    return
  }
  func.func @transform_0(%arg0: i32, %arg1: i32) -> (i32, i32, i32) {
    %c0_i32 = arith.constant 0 : i32
    %c0_i32_0 = arith.constant 0 : i32
    %c0_i32_1 = arith.constant 0 : i32
    return %c0_i32, %arg1, %c0_i32_0 : i32, i32, i32
  }
  func.func @transform_1(%arg0: i32, %arg1: i32) -> (i32, i32) {
    %c0_i32 = arith.constant 0 : i32
    %c0_i32_0 = arith.constant 0 : i32
    return %arg1, %c0_i32 : i32, i32
  }
  func.func @transform_2(%arg0: i32, %arg1: i32) -> (i32, i32) {
    %c0_i32 = arith.constant 0 : i32
    %c0_i32_0 = arith.constant 0 : i32
    %c0_i32_1 = arith.constant 0 : i32
    return %c0_i32, %c0_i32_0 : i32, i32
  }
  func.func @transform_3(%arg0: i32, %arg1: i32) -> (i32, i32) {
    %c0_i32 = arith.constant 0 : i32
    %c0_i32_0 = arith.constant 0 : i32
    return %c0_i32, %arg0 : i32, i32
  }
  func.func @transform_4(%arg0: i32, %arg1: i32) -> (i32, i32, i32) {
    %c0_i32 = arith.constant 0 : i32
    %c0_i32_0 = arith.constant 0 : i32
    return %arg0, %arg1, %c0_i32 : i32, i32, i32
  }
}

module attributes {stable_mosaic.version = 14 : i64} {
  func.func @_out_body(%arg0: i32, %arg1: memref<2x400x128xf32, #tpu.memory_space<vmem>>, %arg2: memref<400x1xf32, #tpu.memory_space<vmem>>, %arg3: memref<1x256xf32, #tpu.memory_space<vmem>>, %arg4: memref<256x6xf32, #tpu.memory_space<vmem>>, %arg5: memref<1x6xf32, #tpu.memory_space<vmem>>, %arg6: memref<400x6xf32, #tpu.memory_space<vmem>>) attributes {dimension_semantics = [#tpu.dimension_semantics<arbitrary>], iteration_bounds = array<i64: 25>, scalar_prefetch = 0 : i64, scratch_operands = 0 : i64, tpu.core_type = #tpu.core_type<tc>, window_params = [{transform_indices = @transform_0, window_bounds = array<i64: 2, 400, 128>}, {transform_indices = @transform_1, window_bounds = array<i64: 400, 1>}, {pipeline_mode = #tpu.pipeline_mode<synchronous>, transform_indices = @transform_2, window_bounds = array<i64: 1, 256>}, {pipeline_mode = #tpu.pipeline_mode<synchronous>, transform_indices = @transform_3, window_bounds = array<i64: 256, 6>}, {pipeline_mode = #tpu.pipeline_mode<synchronous>, transform_indices = @transform_4, window_bounds = array<i64: 1, 6>}, {transform_indices = @transform_5, window_bounds = array<i64: 400, 6>}]} {
    %get3A = arith.constant 0 : index
    %get3A_0 = arith.constant 0 : index
    %get3A_1 = vector.load %arg2[%get3A, %get3A_0] : memref<400x1xf32, #tpu.memory_space<vmem>>, vector<400x1xf32>
    %get3A_2 = arith.constant 0 : index
    %get3A_3 = arith.constant 0 : index
    %get3A_4 = arith.constant 0 : index
    %get3A_5 = vector.load %arg1[%get3A_2, %get3A_3, %get3A_4] : memref<2x400x128xf32, #tpu.memory_space<vmem>>, vector<1x400x128xf32>
    %get3A_6 = vector.shape_cast %get3A_5 : vector<1x400x128xf32> to vector<400x128xf32>
    %get3A_7 = arith.constant 1 : index
    %get3A_8 = arith.constant 0 : index
    %get3A_9 = arith.constant 0 : index
    %get3A_10 = vector.load %arg1[%get3A_7, %get3A_8, %get3A_9] : memref<2x400x128xf32, #tpu.memory_space<vmem>>, vector<1x400x128xf32>
    %get3A_11 = vector.shape_cast %get3A_10 : vector<1x400x128xf32> to vector<400x128xf32>
    %concatenate3A = tpu.concatenate %get3A_6, %get3A_11 in 1 : vector<400x128xf32>, vector<400x128xf32> -> vector<400x256xf32>
    %mul3A = vector.broadcast %get3A_1 : vector<400x1xf32> to vector<400x256xf32>
    %mul3A_12 = arith.mulf %concatenate3A, %mul3A : vector<400x256xf32>
    %get3A_13 = arith.constant 0 : index
    %get3A_14 = arith.constant 0 : index
    %get3A_15 = vector.load %arg3[%get3A_13, %get3A_14] : memref<1x256xf32, #tpu.memory_space<vmem>>, vector<1x256xf32>
    %add3A = vector.broadcast %get3A_15 : vector<1x256xf32> to vector<400x256xf32>
    %add3A_16 = arith.addf %mul3A_12, %add3A : vector<400x256xf32>
    %max3A = arith.constant 0.000000e+00 : f32
    %max3A_17 = vector.broadcast %max3A : f32 to vector<400x256xf32>
    %max3A_18 = arith.maximumf %add3A_16, %max3A_17 : vector<400x256xf32>
    %get3A_19 = arith.constant 0 : index
    %get3A_20 = arith.constant 0 : index
    %get3A_21 = vector.load %arg4[%get3A_19, %get3A_20] : memref<256x6xf32, #tpu.memory_space<vmem>>, vector<256x6xf32>
    %dot_general3A = arith.constant dense<0.000000e+00> : vector<400x6xf32>
    %dot_general3A_22 = tpu.matmul %max3A_18, %get3A_21, %dot_general3A {dimension_numbers = #tpu.dot_dimension_numbers<[1], [0], [0], [1], [0, 0, 1, 1], [], []>, transpose_lhs_hint = false} : vector<400x256xf32>, vector<256x6xf32>, vector<400x6xf32> -> vector<400x6xf32>
    %get3A_23 = arith.constant 0 : index
    %get3A_24 = arith.constant 0 : index
    %get3A_25 = vector.load %arg5[%get3A_23, %get3A_24] : memref<1x6xf32, #tpu.memory_space<vmem>>, vector<1x6xf32>
    %add3A_26 = vector.broadcast %get3A_25 : vector<1x6xf32> to vector<400x6xf32>
    %add3A_27 = arith.addf %dot_general3A_22, %add3A_26 : vector<400x6xf32>
    %swap3A = arith.constant 0 : index
    %swap3A_28 = arith.constant 0 : index
    %swap3A_29 = vector.load %arg6[%swap3A, %swap3A_28] : memref<400x6xf32, #tpu.memory_space<vmem>>, vector<400x6xf32>
    tpu.vector_store %arg6[%swap3A, %swap3A_28], %add3A_27 {strides = array<i32>} : memref<400x6xf32, #tpu.memory_space<vmem>>, vector<400x6xf32>,
    return
  }
  func.func @transform_0(%arg0: i32) -> (i32, i32, i32) {
    %c0_i32 = arith.constant 0 : i32
    %c0_i32_0 = arith.constant 0 : i32
    %c0_i32_1 = arith.constant 0 : i32
    return %c0_i32, %arg0, %c0_i32_0 : i32, i32, i32
  }
  func.func @transform_1(%arg0: i32) -> (i32, i32) {
    %c0_i32 = arith.constant 0 : i32
    %c0_i32_0 = arith.constant 0 : i32
    return %arg0, %c0_i32 : i32, i32
  }
  func.func @transform_2(%arg0: i32) -> (i32, i32) {
    %c0_i32 = arith.constant 0 : i32
    %c0_i32_0 = arith.constant 0 : i32
    %c0_i32_1 = arith.constant 0 : i32
    return %c0_i32, %c0_i32_0 : i32, i32
  }
  func.func @transform_3(%arg0: i32) -> (i32, i32) {
    %c0_i32 = arith.constant 0 : i32
    %c0_i32_0 = arith.constant 0 : i32
    %c0_i32_1 = arith.constant 0 : i32
    return %c0_i32, %c0_i32_0 : i32, i32
  }
  func.func @transform_4(%arg0: i32) -> (i32, i32) {
    %c0_i32 = arith.constant 0 : i32
    %c0_i32_0 = arith.constant 0 : i32
    %c0_i32_1 = arith.constant 0 : i32
    return %c0_i32, %c0_i32_0 : i32, i32
  }
  func.func @transform_5(%arg0: i32) -> (i32, i32) {
    %c0_i32 = arith.constant 0 : i32
    %c0_i32_0 = arith.constant 0 : i32
    return %arg0, %c0_i32 : i32, i32
  }
}

</mosaic_0001>

<sc_bundles>
// kernel: kernel.10.cloned.1.call-start
scs
__scs_entry_jumppad:
0x0: {  	(pc) =	sbr.rel $0x88, $3  }
0x1: {  	(tag) =	ssettag $0x0;
	lr =	simm.s32 $0x1  }
0x2: {  	[smem:$0x3F99] =	sst lr;
	_ =	strace $0xD0000000  }
0x3: {  	_ = 	snop  }
0x4: {  	_ = 	snop  }
0x5: {  	_ = 	snop  }
0x6: {  	_ = 	snop  }
0x7: {  	_ = 	snop  }
__scs_overlays_trampoline_lowered:
0x8: {  	[smem:$0x3FA8] =	sst s0  }
0x9: {  	[smem:$0x3FA9] =	sst s1  }
0xa: {  	[smem:$0x3FAA] =	sst s2  }
0xb: {  	[smem:$0x3FAB] =	sst s3  }
0xc: {  	[smem:$0x3FAC] =	sst s4  }
0xd: {  	[smem:$0x3FAD] =	sst s5  }
0xe: {  	[smem:$0x3FAE] =	sst s6  }
0xf: {  	[smem:$0x3FAF] =	sst s7  }
0x10: {  	[smem:$0x3FB0] =	sst s8  }
0x11: {  	[smem:$0x3FB1] =	sst s9;
	s0 =	simm.s32 @!p0 $0x0  }
0x12: {  	s1 =	sld [smem:$0x3F97];
	s0 =	simm.s32 @p0 $0x1  }
0x13: {  	[smem:$0x3FB2] =	sst s0;
	s0 =	simm.s32 @!p1 $0x0  }
0x14: {  	s2 =	sld [smem:$0x3F96];
	s0 =	simm.s32 @p1 $0x1  }
0x15: {  	[smem:$0x3FB3] =	sst s0;
	s0 =	simm.s32 @!p2 $0x0  }
0x16: {  	s3 =	sld [smem:$0x3FDB];
	s0 =	simm.s32 @p2 $0x1  }
0x17: {  	s4 =	simm.s32 $0x1BF5;
	[smem:$0x3FB5] =	sst s0  }
0x18: {  	s0 =	sld [smem:$0x3F98];
	_ =	swait.ge [sflag:s4], $0x0  }
0x19: {  	s7 =	sld [smem:$0x3F99]  }
0x1a: {  	s8 =	sadd.s32 $0xFFFFE003, lr  }
0x1b: {  	s9 =	sadd.s32 $0xFFFFFEF7, lr;
	s5 =	simm.s32 $0xFFFFFFFF;
	p2 =	slt.u32 s8, $0xFFFFF086  }
0x1c: {  	p1 =	slt.u32 s9, $0xF7A;
	s5 =	simm.s32 @!p2 $0x0  }
0x1d: {  	s5 =	simm.s32 @p1 $0x1;
	p0 =	seq.s32 s7, s2  }
0x1e: {  	s7 =	smul.u32 @!p0 $0xF7A, s2;
	p2 =	seq.s32 @!p0 s5, $0x0  }
0x1f: {  	s9 =	smul.u32 $0xF7A, s1;
	s8 =	simm.s32 @!p0 $0x1BF5;
	p2 =	por !p2, p0  }
0x20: {  	[sflag:s8] =	ssyncset.s32 @!p0 $0xFFFFF086;
	s6 =	sadd.s32 @!p0 s3, s7;
	s7 =	simm.s32 @!p0 $0x108  }
0x21: {  	s3 =	sadd.s32 s3, s9;
	s6 =	sadd.s32 @!p0 $0x88, s6;
	s7 =	simm.s32 @p2 $0x1082  }
0x22: {  	[simem:s7], [sflag:s8] =	dma.local @!p0 [hbm:s6], $0xF7A  }
0x23: {  	s9 =	sor.u32 $0xD0000000, s2;
	s6 =	simm.s32 $0x108;
	_ =	swait.ge @!p0 [sflag:s8], $0x0  }
0x24: {  	s3 =	sadd.s32 $0x88, s3;
	s6 =	simm.s32 @!p1 $0x1082;
	[sflag:s4] =	ssyncset.s32 $0xFFFFF086  }
0x25: {  	[simem:s6], [sflag:s4] =	dma.local [hbm:s3], $0xF7A  }
0x26: {  	[smem:$0x3F99] =	sst s1;
	(tag) =	ssettag s2;
	_ =	strace s9  }
0x27: {  	s1 =	sld [smem:$0x3FA9]  }
0x28: {  	s2 =	sld [smem:$0x3FAA]  }
0x29: {  	s4 =	sld [smem:$0x3FAC]  }
0x2a: {  	p0 =	seq.s32 s5, $0x0;
	s5 =	sld [smem:$0x3FAD]  }
0x2b: {  	s6 =	sld [smem:$0x3FAE]  }
0x2c: {  	s7 =	sld [smem:$0x3FAF]  }
0x2d: {  	s3 =	simm.s32 $0x108;
	s8 =	sld [smem:$0x3FB0]  }
0x2e: {  	s3 =	simm.s32 @!p0 $0x1082;
	s9 =	sld [smem:$0x3FB1]  }
0x2f: {  	lr =	sadd.s32 s0, s3;
	s0 =	sld [smem:$0x3FA8]  }
0x30: {  	s3 =	sld [smem:$0x3FAB]  }
0x31: {  	[smem:$0x3FB4] =	sst s10  }
0x32: {  	s10 =	sld [smem:$0x3FB2];
	_ =	sdelay $0x3  }
0x33: {  	p0 =	seq.s32 s10, $0x1;
	s10 =	sld [smem:$0x3FB4];
	_ =	sdelay $0x3  }
0x34: {  	[smem:$0x3FB4] =	sst s10  }
0x35: {  	s10 =	sld [smem:$0x3FB3];
	_ =	sdelay $0x3  }
0x36: {  	p1 =	seq.s32 s10, $0x1;
	s10 =	sld [smem:$0x3FB4];
	_ =	sdelay $0x3  }
0x37: {  	[smem:$0x3FB4] =	sst s10  }
0x38: {  	s10 =	sld [smem:$0x3FB5]  }
0x39: {  	_ = 	snop;
	(pc) =	sbr.ind lr, $3  }
0x3a: {  	_ = 	snop  }
0x3b: {  	_ = 	snop  }
0x3c: {  	p2 =	seq.s32 s10, $0x1;
	s10 =	sld [smem:$0x3FB4]  }
0x3d: {  	_ =	shalt  }
0x3e: {  	_ =	shalt  }
0x3f: {  	_ =	shalt  }
0x40: {  	_ =	shalt  }
0x41: {  	_ =	shalt  }
0x42: {  	_ =	shalt  }
0x43: {  	_ =	shalt  }
0x44: {  	_ =	shalt  }
0x45: {  	_ =	shalt  }
0x46: {  	_ =	shalt  }
0x47: {  	_ =	shalt  }
0x48: {  	_ =	shalt  }
0x49: {  	_ =	shalt  }
0x4a: {  	_ =	shalt  }
0x4b: {  	_ =	shalt  }
0x4c: {  	_ =	shalt  }
0x4d: {  	_ =	shalt  }
0x4e: {  	_ =	shalt  }
0x4f: {  	_ =	shalt  }
0x50: {  	_ =	shalt  }
0x51: {  	_ =	shalt  }
0x52: {  	_ =	shalt  }
0x53: {  	_ =	shalt  }
0x54: {  	_ =	shalt  }
0x55: {  	_ =	shalt  }
0x56: {  	_ =	shalt  }
0x57: {  	_ =	shalt  }
0x58: {  	_ =	shalt  }
0x59: {  	_ =	shalt  }
0x5a: {  	_ =	shalt  }
0x5b: {  	_ =	shalt  }
0x5c: {  	_ =	shalt  }
0x5d: {  	_ =	shalt  }
0x5e: {  	_ =	shalt  }
0x5f: {  	_ =	shalt  }
0x60: {  	_ =	shalt  }
0x61: {  	_ =	shalt  }
0x62: {  	_ =	shalt  }
0x63: {  	_ =	shalt  }
0x64: {  	_ =	shalt  }
0x65: {  	_ =	shalt  }
0x66: {  	_ =	shalt  }
0x67: {  	_ =	shalt  }
0x68: {  	_ =	shalt  }
0x69: {  	_ =	shalt  }
0x6a: {  	_ =	shalt  }
0x6b: {  	_ =	shalt  }
0x6c: {  	_ =	shalt  }
0x6d: {  	_ =	shalt  }
0x6e: {  	_ =	shalt  }
0x6f: {  	_ =	shalt  }
0x70: {  	_ =	shalt  }
0x71: {  	_ =	shalt  }
0x72: {  	_ =	shalt  }
0x73: {  	_ =	shalt  }
0x74: {  	_ =	shalt  }
0x75: {  	_ =	shalt  }
0x76: {  	_ =	shalt  }
0x77: {  	_ =	shalt  }
0x78: {  	_ =	shalt  }
0x79: {  	_ =	shalt  }
0x7a: {  	_ =	shalt  }
0x7b: {  	_ =	shalt  }
0x7c: {  	_ =	shalt  }
0x7d: {  	_ =	shalt  }
0x7e: {  	_ =	shalt  }
0x7f: {  	_ =	shalt  }
0x80: {  	_ =	shalt  }
0x81: {  	_ =	shalt  }
0x82: {  	_ =	shalt  }
0x83: {  	_ =	shalt  }
0x84: {  	_ =	shalt  }
0x85: {  	_ =	shalt  }
0x86: {  	_ =	shalt  }
0x87: {  	_ =	shalt  }
.Lfunc_end0:
.L_simem_size_0:
called_computation_lowered:
.L_overlay_start_0:
0x88: {  	s2 =	sld [smem:$0x3FD9]  }
0x89: {  	s3 =	sld [smem:$0x3FFE];
	_ =	sdelay $0x1  }
0x8a: {  	s1 =	srdreg.scid  }
0x8b: {  	s0 =	sand.u32 $0x1, s1  }
0x8c: {  	s17 =	sshll.u32 s0, $0xA;
	s2 =	sadd.s32 s3, s2  }
0x8d: {  	s2 =	sadd.s32 s2, s17  }
0x8e: {  	[smem:$0x3FC0] =	sst s2  }
0x8f: {  	_ = 	snop  }
0x90: {  	s2 =	sld [smem:$0x3FD0];
	(tm) =	ssettm $0x1  }
0x91: {  	s18 =	sld [smem:$0x3FFB];
	_ =	sdelay $0x3  }
0x92: {  	_ =	strace s18  }
0x93: {  	s3 =	sld [smem:$0x3FFC];
	_ =	sdelay $0x3  }
0x94: {  	_ =	strace s3  }
0x95: {  	s3 =	sld [smem:$0x3FFD];
	_ =	sdelay $0x3  }
0x96: {  	_ =	strace s3  }
0x97: {  	_ =	strace $0x8FFFFFFF  }
0x98: {  	s19 =	sld [smem:$0x3FDB];
	_ =	sdelay $0x1  }
0x99: {  	s4 =	simm.s32 $_scs_section_size  }
0x9a: {  	s5 =	simm.s32 $_size__tile_overlayer_lowered;
	s6 =	simm.s32 $_tile_overlayer_lowered  }
0x9b: {  	s22 =	simm.s32 $0x1BFF;
	s21 =	sshll.u32 s6, $0x1;
	s3 =	sadd.s32 s4, s19  }
0x9c: {  	s7 =	simm.s32 $0x0;
	s20 =	sshll.u32 s5, $0x1;
	s5 =	sadd.s32 s21, s3  }
0x9d: {  	[timem:s7], [sflag:s22] =	dma.local [hbm:s5], s20  }
0x9e: {  	_ =	swait.ge [sflag:s22], s20  }
0x9f: {  	s4 =	ssub.s32 $0x0, s20;
	[sflag:s22] =	ssyncset.done $0x0  }
0xa0: {  	[sflag:s22] =	ssyncadd.s32 s4;
	_ =	sdelay $0x1  }
0xa1: {  	s23 =	simm.s32 $0x1B8B  }
0xa2: {  	_ =	swait.ge [sflag:s23], $0x1  }
0xa3: {  	[sflag:s23] =	ssyncset.done $0x0  }
0xa4: {  	s25 =	simm.s32 $0x1B8E;
	s24 =	sld [smem:$0x3FFE];
	[sflag:s23] =	ssyncadd.s32 $0xFFFFFFFF  }
0xa5: {  	s26 =	simm.s32 $execute0_lowered;
	[smem:$0x3FD2] =	sst s25  }
0xa6: {  	s5 =	sshll.u32 s26, $0x1;
	_ =	strace $0x80000046;
	[dreg:$0x1] =	wrdreg $0xFFFFFFFF  }
0xa7: {  	s28 =	simm.s32 $_size_execute0_lowered;
	s3 =	sadd.s32 s3, s5;
	[dreg:$0x0] =	wrdreg $0x0  }
0xa8: {  	s5 =	sshll.u32 s28, $0x1;
	[dreg:$0x2] =	wrdreg s3  }
0xa9: {  	[dreg:$0x3] =	wrdreg s5  }
0xaa: {  	[dreg:$0x4] =	wrdreg $0xC0  }
0xab: {  	_ =	task [dreg:s7], $0x5FFFF  }
0xac: {  	[dreg:$0x1] =	wrdreg $0xFFFFFFFF  }
0xad: {  	[dreg:$0x0] =	wrdreg $0x60  }
0xae: {  	[dreg:$0x2] =	wrdreg s24  }
0xaf: {  	[dreg:$0x3] =	wrdreg s2  }
0xb0: {  	[dreg:$0x4] =	wrdreg $0x53000  }
0xb1: {  	[dreg:$0x5] =	wrdreg $0x9  }
0xb2: {  	_ =	task.clear_ibuf [dreg:s7], $0x6FFFF;
	_ =	strace $0x90000046  }
0xb3: {  	s29 =	simm.s32 $0x9;
	_ =	strace $0x80000048  }
0xb4: {  	_ =	swait.ge [sflag:s29], $0x1  }
0xb5: {  	[sflag:s29] =	ssyncadd.s32 $0xFFFFFFFF  }
0xb6: {  	_ =	strace $0x90000048  }
0xb7: {  	_ =	sfence  }
0xb8: {  	s30 =	sld [smem:$0x0];
	_ =	sdelay $0x2  }
0xb9: {  	s31 =	sshll.u32 s1, $0xD;
	s1 =	sshrl.u32 s1, $0x2  }
0xba: {  	s3 =	sand.u32 $0x4000, s31;
	s1 =	sadd.s32 s1, s30  }
0xbb: {  	s0 =	sor.u32 s3, s0;
	s1 =	sshll.u32 s1, $0x11  }
0xbc: {  	s0 =	sor.u32 s1, s0  }
0xbd: {  	s0 =	sadd.s32 $0x8F2B, s0  }
0xbe: {  	[sflag:s0] =	ssyncadd.remote.s32 $0x1  }
0xbf: {  	_ =	sfence.sel $0xFFFF  }
0xc0: {  	[dreg:$0x0] =	wrdreg $0xFFFFFFFF;
	(pc) =	sbr.abs _section_cstart, $3  }
0xc1: {  	[dreg:$0x1] =	wrdreg $0xFFFFFFFF  }
0xc2: {  	_ =	task.clear_ibuf [dreg:s7], $0x2FFFF;
	_ =	strace $0x9FFFFFFF  }
0xc3: {  	(tm) =	ssettm $0x7FFFFFFF  }
tec
execute0_lowered:
.L_overlay_start_1:
0x0: {  	(tag) =	ssettag $0x1  }
0x1: {  	s0 =	srdreg.scid;
	s3 =	rddreg [dreg:$0x0]  }
0x2: {  	s5 =	rddreg [dreg:$0x1];
	s10 =	stileid.u32  }
0x3: {  	s1 =	rddreg [dreg:$0x2];
	s2 =	simm.s32 $0x0;
	s12 =	simm.s32 $0x0  }
0x4: {  	s4 =	sand.u32 $0x1, s0;
	[smem:$0x7FF] =	sst s2;
	s7 =	smul.u32 $0xA00, s10  }
0x5: {  	p0 =	sne.s32 s10, $0x0;
	s0 =	sshll.u32 s4, $0x4;
	s31 =	ssub.s32 $0x2, s4  }
0x6: {  	s9 =	smul.u32 $0x500, s4;
	s11 =	sshrl.u32 @!p0 s1, $0x3;
	s6 =	sor.u32 s10, s0  }
0x7: {  	s0 =	rddreg [dreg:$0x3];
	_ =	strace $0x80000047;
	s8 =	sshrl.u32 s31, $0x1  }
0x8: {  	s7 =	sshrl.u32 s7, $0x2;
	s10 =	simm.s32 $0x5000;
	s6 =	smul.u32 $0xA00, s6  }
0x9: {  	s8 =	ssub.s32 s31, s8;
	s5 =	sadd.s32 s5, s9;
	s9 =	simm.s32 $0x40  }
0xa: {  	s6 =	sadd.s32 s6, s3;
	s3 =	sadd.s32 s7, s1;
	s7 =	simm.s32 $0x5080  }
0xb: {  	v0 =	vimm.f32 $0.0e+00;
	v1 =	vimm.f32 $1.000000000e+00;
	s4 =	sadd.s32 $0x2000, s6;
	s6 =	smax.u32 s8, $0x1;
	s8 =	simm.s32 $0x1  }
.LBB2_1:
0xc: {  	s13 =	simm.s32 $0x10;
	[tilespmem:s7+$0x0] =	vst v0;
	s15 =	sand.u32 $0x30, s2;
	s14 =	simm.s32 $0x5080  }
.LBB2_2:
0xd: {  	p1 =	sne.s32 s13, $0x270  }
0xe: {  	[tilespmem:s15+$0x5000] =	vst v1;
	s14 =	sadd.s32 $0x10, s14;
	s15 =	smov.u32 s13;
	s13 =	sadd.s32 $0x10, s13  }
.Ltmp0:
0xf: {  	(pc) =	sbr.rel @p1 .LBB2_2-.Ltmp0, $2  }
0x10: {  	_ =	sdelay $0x2  }
0x11: {  	s15 =	sand.u32 $0x30, s15;
	[tilespmem:s14+$0x0] =	vst v0  }
0x12: {  	[tilespmem:s15+$0x5000] =	vst v1  }
0x13: {  	[spmem:s3] =	stream.linear.scatter [tilespmem:s7], [sflag:$0x1], $0x280, $0x38;
	[tilespmem:$0x5580] =	vst v63  }
0x14: {  	_ =	swait.ge [sflag:s8], $0x280  }
0x15: {  	[sflag:s8] =	ssyncset.done $0x0  }
0x16: {  	[sflag:s8] =	ssyncadd.s32 $0xFFFFFD80  }
0x17: {  	s13 =	simm.s32 $0x0;
	[bflag:$0x0] =	sbarrier.arrive $0xFFFF  }
0x18: {  	[tilespmem:s13], [sflag:$0x1] =	stream.linear.gather [hbm4b:s4+s13], $0x5000, $0x38;
	[tilespmem:$0x5580] =	vst v63  }
0x19: {  	_ =	swait.ge [sflag:s8], $0x5000  }
0x1a: {  	[sflag:s8] =	ssyncset.done $0x0  }
0x1b: {  	s31 =	simm.s32 $0x0;
	[sflag:s8] =	ssyncadd.s32 $0xFFFFB000  }
0x1c: {  	[spmem:s1] =	stream.indirect.scatter.add.f32 [tilespmem:s10], [sflag:$0x1], $0x1, s31, s9, $0xb8;
	[tilespmem:$0x5580] =	vst v63  }
0x1d: {  	_ =	swait.ge [sflag:s8], $0x40  }
0x1e: {  	s13 =	simm.s32 $0x200;
	[sflag:s8] =	ssyncset.done $0x0  }
.LBB2_4:
0x1f: {  	s14 =	sshra.s32 s13, $0x2;
	[sflag:s8] =	ssyncadd.s32 $0xFFFFFFC0;
	p1 =	sne.s32 s13, $0x13E00  }
0x20: {  	[spmem:s1] =	stream.indirect.scatter.add.f32 [tilespmem:s10], [sflag:$0x1], $0x1, s14, s9, $0xb8;
	[tilespmem:$0x5580] =	vst v63  }
.Ltmp1:
0x21: {  	_ = 	snop;
	(pc) =	sbr.rel @p1 .LBB2_4-.Ltmp1, $4  }
0x22: {  	_ = 	snop  }
0x23: {  	s13 =	sadd.s32 $0x200, s13  }
0x24: {  	_ =	swait.ge [sflag:s8], $0x40  }
0x25: {  	[sflag:s8] =	ssyncset.done $0x0  }
0x26: {  	[sflag:s8] =	ssyncadd.s32 $0xFFFFFFC0;
	s12 =	sadd.s32 $0x1, s12  }
0x27: {  	s13 =	simm.s32 @!p0 $0x1C01;
	[bflag:$0x0] =	sbarrier.arrive $0xFFFF;
	p1 =	sne.s32 s12, s6  }
0x28: {  	[hbm:s5], [sflag:s13] =	dma.local @!p0 [spmem:s11], $0x500  }
.Ltmp2:
0x29: {  	_ = 	snop;
	(pc) =	sbr.rel @p1 .LBB2_1-.Ltmp2, $4  }
0x2a: {  	s13 =	simm.s32 @!p0 $0x1  }
0x2b: {  	_ =	swait.ge @!p0 [sflag:s13], $0x500  }
0x2c: {  	[sflag:s13] =	ssyncset.done @!p0 $0x0  }
0x2d: {  	[sflag:s13] =	ssyncadd.s32 @!p0 $0xFFFFFB00  }
0x2e: {  	_ =	sfence.sel $0x180000  }
0x2f: {  	[bflag:$0x0] =	sbarrier.arrive $0xFFFF  }
0x30: {  	_ =	strace $0x90000047  }
0x31: {  	s0 =	sadd.s32 @!p0 $0x100000, s0;
	[bflag:$0x2] =	sbarrier.arrive $0xFFFF  }
0x32: {  	[sflag:s0] =	ssyncadd.tile.s32 @!p0 $0x1;
	_ =	shalt  }
.Lfunc_end2:
_tile_overlayer_lowered:
.L_overlay_start_2:
0x33: {  	(tag) =	ssettag $0x2  }
0x34: {  	s0 =	rddreg [dreg:$0x0];
	s2 =	stileid.u32  }
0x35: {  	s1 =	rddreg [dreg:$0x1];
	p0 =	sne.s32 s2, $0x0  }
0x36: {  	s3 =	rddreg [dreg:$0x2];
	[bflag:$0x3] =	sbarrier.arrive $0xFFFF;
	s2 =	simm.s32 @!p0 $0x1C01  }
0x37: {  	[timem:s3], [sflag:s2] =	dma.local @!p0 [hbm:s0], s1  }
0x38: {  	s0 =	simm.s32 @!p0 $0x1  }
0x39: {  	_ =	swait.ge @!p0 [sflag:s0], s1  }
0x3a: {  	s1 =	ssub.s32 @!p0 $0x0, s1;
	[sflag:s0] =	ssyncset.done @!p0 $0x0  }
0x3b: {  	[sflag:s0] =	ssyncadd.s32 @!p0 s1  }
0x3c: {  	[bflag:$0x3] =	sbarrier.arrive $0xFFFF  }
0x3d: {  	_ =	shalt  }

// kernel: kernel.13.cloned.1.call-start
scs
__scs_entry_jumppad:
0x0: {  	(pc) =	sbr.rel $0x88, $3  }
0x1: {  	(tag) =	ssettag $0x0;
	lr =	simm.s32 $0x1  }
0x2: {  	[smem:$0x3F99] =	sst lr;
	_ =	strace $0xD0000000  }
0x3: {  	_ = 	snop  }
0x4: {  	_ = 	snop  }
0x5: {  	_ = 	snop  }
0x6: {  	_ = 	snop  }
0x7: {  	_ = 	snop  }
__scs_overlays_trampoline_lowered:
0x8: {  	[smem:$0x3FA8] =	sst s0  }
0x9: {  	[smem:$0x3FA9] =	sst s1  }
0xa: {  	[smem:$0x3FAA] =	sst s2  }
0xb: {  	[smem:$0x3FAB] =	sst s3  }
0xc: {  	[smem:$0x3FAC] =	sst s4  }
0xd: {  	[smem:$0x3FAD] =	sst s5  }
0xe: {  	[smem:$0x3FAE] =	sst s6  }
0xf: {  	[smem:$0x3FAF] =	sst s7  }
0x10: {  	[smem:$0x3FB0] =	sst s8  }
0x11: {  	[smem:$0x3FB1] =	sst s9;
	s0 =	simm.s32 @!p0 $0x0  }
0x12: {  	s1 =	sld [smem:$0x3F97];
	s0 =	simm.s32 @p0 $0x1  }
0x13: {  	[smem:$0x3FB2] =	sst s0;
	s0 =	simm.s32 @!p1 $0x0  }
0x14: {  	s2 =	sld [smem:$0x3F96];
	s0 =	simm.s32 @p1 $0x1  }
0x15: {  	[smem:$0x3FB3] =	sst s0;
	s0 =	simm.s32 @!p2 $0x0  }
0x16: {  	s3 =	sld [smem:$0x3FDB];
	s0 =	simm.s32 @p2 $0x1  }
0x17: {  	s4 =	simm.s32 $0x1BF5;
	[smem:$0x3FB5] =	sst s0  }
0x18: {  	s0 =	sld [smem:$0x3F98];
	_ =	swait.ge [sflag:s4], $0x0  }
0x19: {  	s7 =	sld [smem:$0x3F99]  }
0x1a: {  	s8 =	sadd.s32 $0xFFFFE003, lr  }
0x1b: {  	s9 =	sadd.s32 $0xFFFFFEF7, lr;
	s5 =	simm.s32 $0xFFFFFFFF;
	p2 =	slt.u32 s8, $0xFFFFF086  }
0x1c: {  	p1 =	slt.u32 s9, $0xF7A;
	s5 =	simm.s32 @!p2 $0x0  }
0x1d: {  	s5 =	simm.s32 @p1 $0x1;
	p0 =	seq.s32 s7, s2  }
0x1e: {  	s7 =	smul.u32 @!p0 $0xF7A, s2;
	p2 =	seq.s32 @!p0 s5, $0x0  }
0x1f: {  	s9 =	smul.u32 $0xF7A, s1;
	s8 =	simm.s32 @!p0 $0x1BF5;
	p2 =	por !p2, p0  }
0x20: {  	[sflag:s8] =	ssyncset.s32 @!p0 $0xFFFFF086;
	s6 =	sadd.s32 @!p0 s3, s7;
	s7 =	simm.s32 @!p0 $0x108  }
0x21: {  	s3 =	sadd.s32 s3, s9;
	s6 =	sadd.s32 @!p0 $0x88, s6;
	s7 =	simm.s32 @p2 $0x1082  }
0x22: {  	[simem:s7], [sflag:s8] =	dma.local @!p0 [hbm:s6], $0xF7A  }
0x23: {  	s9 =	sor.u32 $0xD0000000, s2;
	s6 =	simm.s32 $0x108;
	_ =	swait.ge @!p0 [sflag:s8], $0x0  }
0x24: {  	s3 =	sadd.s32 $0x88, s3;
	s6 =	simm.s32 @!p1 $0x1082;
	[sflag:s4] =	ssyncset.s32 $0xFFFFF086  }
0x25: {  	[simem:s6], [sflag:s4] =	dma.local [hbm:s3], $0xF7A  }
0x26: {  	[smem:$0x3F99] =	sst s1;
	(tag) =	ssettag s2;
	_ =	strace s9  }
0x27: {  	s1 =	sld [smem:$0x3FA9]  }
0x28: {  	s2 =	sld [smem:$0x3FAA]  }
0x29: {  	s4 =	sld [smem:$0x3FAC]  }
0x2a: {  	p0 =	seq.s32 s5, $0x0;
	s5 =	sld [smem:$0x3FAD]  }
0x2b: {  	s6 =	sld [smem:$0x3FAE]  }
0x2c: {  	s7 =	sld [smem:$0x3FAF]  }
0x2d: {  	s3 =	simm.s32 $0x108;
	s8 =	sld [smem:$0x3FB0]  }
0x2e: {  	s3 =	simm.s32 @!p0 $0x1082;
	s9 =	sld [smem:$0x3FB1]  }
0x2f: {  	lr =	sadd.s32 s0, s3;
	s0 =	sld [smem:$0x3FA8]  }
0x30: {  	s3 =	sld [smem:$0x3FAB]  }
0x31: {  	[smem:$0x3FB4] =	sst s10  }
0x32: {  	s10 =	sld [smem:$0x3FB2];
	_ =	sdelay $0x3  }
0x33: {  	p0 =	seq.s32 s10, $0x1;
	s10 =	sld [smem:$0x3FB4];
	_ =	sdelay $0x3  }
0x34: {  	[smem:$0x3FB4] =	sst s10  }
0x35: {  	s10 =	sld [smem:$0x3FB3];
	_ =	sdelay $0x3  }
0x36: {  	p1 =	seq.s32 s10, $0x1;
	s10 =	sld [smem:$0x3FB4];
	_ =	sdelay $0x3  }
0x37: {  	[smem:$0x3FB4] =	sst s10  }
0x38: {  	s10 =	sld [smem:$0x3FB5]  }
0x39: {  	_ = 	snop;
	(pc) =	sbr.ind lr, $3  }
0x3a: {  	_ = 	snop  }
0x3b: {  	_ = 	snop  }
0x3c: {  	p2 =	seq.s32 s10, $0x1;
	s10 =	sld [smem:$0x3FB4]  }
0x3d: {  	_ =	shalt  }
0x3e: {  	_ =	shalt  }
0x3f: {  	_ =	shalt  }
0x40: {  	_ =	shalt  }
0x41: {  	_ =	shalt  }
0x42: {  	_ =	shalt  }
0x43: {  	_ =	shalt  }
0x44: {  	_ =	shalt  }
0x45: {  	_ =	shalt  }
0x46: {  	_ =	shalt  }
0x47: {  	_ =	shalt  }
0x48: {  	_ =	shalt  }
0x49: {  	_ =	shalt  }
0x4a: {  	_ =	shalt  }
0x4b: {  	_ =	shalt  }
0x4c: {  	_ =	shalt  }
0x4d: {  	_ =	shalt  }
0x4e: {  	_ =	shalt  }
0x4f: {  	_ =	shalt  }
0x50: {  	_ =	shalt  }
0x51: {  	_ =	shalt  }
0x52: {  	_ =	shalt  }
0x53: {  	_ =	shalt  }
0x54: {  	_ =	shalt  }
0x55: {  	_ =	shalt  }
0x56: {  	_ =	shalt  }
0x57: {  	_ =	shalt  }
0x58: {  	_ =	shalt  }
0x59: {  	_ =	shalt  }
0x5a: {  	_ =	shalt  }
0x5b: {  	_ =	shalt  }
0x5c: {  	_ =	shalt  }
0x5d: {  	_ =	shalt  }
0x5e: {  	_ =	shalt  }
0x5f: {  	_ =	shalt  }
0x60: {  	_ =	shalt  }
0x61: {  	_ =	shalt  }
0x62: {  	_ =	shalt  }
0x63: {  	_ =	shalt  }
0x64: {  	_ =	shalt  }
0x65: {  	_ =	shalt  }
0x66: {  	_ =	shalt  }
0x67: {  	_ =	shalt  }
0x68: {  	_ =	shalt  }
0x69: {  	_ =	shalt  }
0x6a: {  	_ =	shalt  }
0x6b: {  	_ =	shalt  }
0x6c: {  	_ =	shalt  }
0x6d: {  	_ =	shalt  }
0x6e: {  	_ =	shalt  }
0x6f: {  	_ =	shalt  }
0x70: {  	_ =	shalt  }
0x71: {  	_ =	shalt  }
0x72: {  	_ =	shalt  }
0x73: {  	_ =	shalt  }
0x74: {  	_ =	shalt  }
0x75: {  	_ =	shalt  }
0x76: {  	_ =	shalt  }
0x77: {  	_ =	shalt  }
0x78: {  	_ =	shalt  }
0x79: {  	_ =	shalt  }
0x7a: {  	_ =	shalt  }
0x7b: {  	_ =	shalt  }
0x7c: {  	_ =	shalt  }
0x7d: {  	_ =	shalt  }
0x7e: {  	_ =	shalt  }
0x7f: {  	_ =	shalt  }
0x80: {  	_ =	shalt  }
0x81: {  	_ =	shalt  }
0x82: {  	_ =	shalt  }
0x83: {  	_ =	shalt  }
0x84: {  	_ =	shalt  }
0x85: {  	_ =	shalt  }
0x86: {  	_ =	shalt  }
0x87: {  	_ =	shalt  }
.Lfunc_end0:
.L_simem_size_0:
called_computation.1_lowered:
.L_overlay_start_0:
0x88: {  	s2 =	sld [smem:$0x3FD9]  }
0x89: {  	s3 =	sld [smem:$0x3FFE];
	_ =	sdelay $0x1  }
0x8a: {  	s1 =	srdreg.scid  }
0x8b: {  	s0 =	sand.u32 $0x1, s1  }
0x8c: {  	s16 =	sshll.u32 s0, $0xA;
	s2 =	sadd.s32 s3, s2  }
0x8d: {  	s2 =	sadd.s32 s2, s16  }
0x8e: {  	[smem:$0x3FC0] =	sst s2  }
0x8f: {  	_ = 	snop  }
0x90: {  	(tm) =	ssettm $0x1  }
0x91: {  	s17 =	sld [smem:$0x3FFB];
	_ =	sdelay $0x3  }
0x92: {  	_ =	strace s17  }
0x93: {  	s2 =	sld [smem:$0x3FFC];
	_ =	sdelay $0x3  }
0x94: {  	_ =	strace s2  }
0x95: {  	s2 =	sld [smem:$0x3FFD];
	_ =	sdelay $0x3  }
0x96: {  	_ =	strace s2  }
0x97: {  	_ =	strace $0x8FFFFFFF  }
0x98: {  	s18 =	sld [smem:$0x3FDB];
	_ =	sdelay $0x1  }
0x99: {  	s19 =	simm.s32 $_scs_section_size  }
0x9a: {  	s4 =	simm.s32 $_size__tile_overlayer_lowered;
	s5 =	simm.s32 $_tile_overlayer_lowered  }
0x9b: {  	s22 =	simm.s32 $0x1BFF;
	s21 =	sshll.u32 s5, $0x1;
	s2 =	sadd.s32 s19, s18  }
0x9c: {  	s6 =	simm.s32 $0x0;
	s20 =	sshll.u32 s4, $0x1;
	s4 =	sadd.s32 s21, s2  }
0x9d: {  	[timem:s6], [sflag:s22] =	dma.local [hbm:s4], s20  }
0x9e: {  	_ =	swait.ge [sflag:s22], s20  }
0x9f: {  	s3 =	ssub.s32 $0x0, s20;
	[sflag:s22] =	ssyncset.done $0x0  }
0xa0: {  	[sflag:s22] =	ssyncadd.s32 s3;
	_ =	sdelay $0x1  }
0xa1: {  	s23 =	simm.s32 $0x1B8B  }
0xa2: {  	_ =	swait.ge [sflag:s23], $0x1  }
0xa3: {  	[sflag:s23] =	ssyncset.done $0x0  }
0xa4: {  	s25 =	simm.s32 $0x1B8E;
	s24 =	sld [smem:$0x3FFE];
	[sflag:s23] =	ssyncadd.s32 $0xFFFFFFFF  }
0xa5: {  	s26 =	simm.s32 $execute0_lowered;
	[smem:$0x3FD2] =	sst s25  }
0xa6: {  	s4 =	sshll.u32 s26, $0x1;
	_ =	strace $0x80000049;
	[dreg:$0x1] =	wrdreg $0xFFFFFFFF  }
0xa7: {  	s28 =	simm.s32 $_size_execute0_lowered;
	s2 =	sadd.s32 s2, s4;
	[dreg:$0x0] =	wrdreg $0x0  }
0xa8: {  	s4 =	sshll.u32 s28, $0x1;
	[dreg:$0x2] =	wrdreg s2  }
0xa9: {  	[dreg:$0x3] =	wrdreg s4  }
0xaa: {  	[dreg:$0x4] =	wrdreg $0xC0  }
0xab: {  	_ =	task [dreg:s6], $0x5FFFF  }
0xac: {  	[dreg:$0x1] =	wrdreg $0xFFFFFFFF  }
0xad: {  	[dreg:$0x0] =	wrdreg $0x60  }
0xae: {  	[dreg:$0x2] =	wrdreg s24  }
0xaf: {  	[dreg:$0x3] =	wrdreg $0xC0000  }
0xb0: {  	[dreg:$0x4] =	wrdreg $0x9  }
0xb1: {  	_ =	task.clear_ibuf [dreg:s6], $0x5FFFF;
	_ =	strace $0x90000049  }
0xb2: {  	s29 =	simm.s32 $0x9;
	_ =	strace $0x8000004B  }
0xb3: {  	_ =	swait.ge [sflag:s29], $0x1  }
0xb4: {  	[sflag:s29] =	ssyncadd.s32 $0xFFFFFFFF  }
0xb5: {  	_ =	strace $0x9000004B  }
0xb6: {  	_ =	sfence  }
0xb7: {  	s30 =	sld [smem:$0x0];
	_ =	sdelay $0x2  }
0xb8: {  	s31 =	sshll.u32 s1, $0xD;
	s1 =	sshrl.u32 s1, $0x2  }
0xb9: {  	s3 =	sand.u32 $0x4000, s31;
	s1 =	sadd.s32 s1, s30  }
0xba: {  	s0 =	sor.u32 s3, s0;
	s1 =	sshll.u32 s1, $0x11  }
0xbb: {  	s0 =	sor.u32 s1, s0  }
0xbc: {  	s0 =	sadd.s32 $0x8F2B, s0  }
0xbd: {  	[sflag:s0] =	ssyncadd.remote.s32 $0x1  }
0xbe: {  	_ =	sfence.sel $0xFFFF  }
0xbf: {  	[dreg:$0x0] =	wrdreg $0xFFFFFFFF;
	(pc) =	sbr.abs _section_cstart, $3  }
0xc0: {  	[dreg:$0x1] =	wrdreg $0xFFFFFFFF  }
0xc1: {  	_ =	task.clear_ibuf [dreg:s6], $0x2FFFF;
	_ =	strace $0x9FFFFFFF  }
0xc2: {  	(tm) =	ssettm $0x7FFFFFFF  }
0xc3: {  	_ =	shalt  }
tec
execute0_lowered:
.L_overlay_start_1:
0x0: {  	(tag) =	ssettag $0x1  }
0x1: {  	s0 =	rddreg [dreg:$0x0]  }
0x2: {  	s1 =	rddreg [dreg:$0x1];
	s2 =	srdreg.scid  }
0x3: {  	s18 =	simm.s32 $0x0;
	s11 =	stileid.u32;
	s14 =	simm.s32 $0x9  }
0x4: {  	s15 =	simm.s32 $0x2000;
	s16 =	simm.s32 $0x40;
	s17 =	simm.s32 $0x4000  }
0x5: {  	s19 =	simm.s32 $0x6000;
	s21 =	simm.s32 $0x8000;
	s22 =	simm.s32 $0x1  }
0x6: {  	s24 =	simm.s32 $0xA000;
	s25 =	simm.s32 $0x2;
	s28 =	simm.s32 $0x5  }
0x7: {  	s30 =	simm.s32 $0x3;
	s12 =	simm.s32 $0x7;
	s13 =	simm.s32 $0x8  }
0x8: {  	s2 =	sand.u32 $0x1, s2;
	[smem:$0x7FF] =	sst s18;
	s6 =	smul.u32 $0x280, s11  }
0x9: {  	s4 =	sadd.s32 $0x3E000, s0;
	s5 =	sadd.s32 $0x16000, s0;
	s8 =	smul.u32 $0x50000, s11  }
0xa: {  	s10 =	sshll.u32 s11, $0x6;
	s3 =	smul.u32 $0x2800, s2;
	_ =	strace $0x8000004A  }
0xb: {  	s7 =	ssub.s32 $0x2, s2;
	s20 =	sor.u32 $0x1C09, s10;
	s10 =	smul.u32 $0x1400, s2  }
0xc: {  	s2 =	simm.s32 $0x280;
	s9 =	sshrl.u32 s7, $0x1;
	s29 =	sshrl.u32 s8, $0x2  }
0xd: {  	[dreg:$0x5] =	wrdreg s20;
	s3 =	sadd.s32 s6, s3;
	s6 =	sadd.s32 $0x2000, s0  }
0xe: {  	s9 =	ssub.s32 s7, s9;
	s8 =	sadd.s32 s29, s1;
	s7 =	smul.u32 $0x140, s11  }
.Ltmp0:
0xf: {  	s11 =	simm.s32 $0x2180;
	s31 =	smax.u32 s9, $0x1;
	(pc) =	sbr.rel .LBB2_1-.Ltmp0, $4  }
0x10: {  	s3 =	sshll.u32 s3, $0x4;
	s23 =	sshrl.u32 s8, $0x3;
	[dreg:$0x7] =	wrdreg s31  }
0x11: {  	s0 =	sadd.s32 s3, s0;
	s3 =	sadd.s32 s4, s3;
	[dreg:$0x8] =	wrdreg s23  }
0x12: {  	s8 =	simm.s32 $0x4;
	[dreg:$0x4] =	wrdreg s3;
	s0 =	sadd.s32 $0x8E000, s0  }
0x13: {  	s9 =	simm.s32 $0x300;
	[dreg:$0x6] =	wrdreg s0;
	s0 =	simm.s32 $0x6  }
.LBB2_6:
0x14: {  	[bflag:$0x0] =	sbarrier.arrive $0xFFFF  }
0x15: {  	s20 =	rddreg [dreg:$0x5]  }
0x16: {  	s3 =	rddreg [dreg:$0x6]  }
0x17: {  	s23 =	rddreg [dreg:$0x8]  }
0x18: {  	[hbm:s3], [sflag:s20] =	dma.local [spmem:s23], $0x2800  }
0x19: {  	_ =	swait.ge [sflag:s14], $0x2800  }
0x1a: {  	s18 =	rddreg [dreg:$0x3]  }
0x1b: {  	s31 =	rddreg [dreg:$0x7];
	s18 =	sadd.s32 $0x1, s18  }
0x1c: {  	p0 =	sne.s32 s18, s31  }
.Ltmp1:
0x1d: {  	_ = 	snop;
	(pc) =	sbr.rel @!p0 .LBB2_7-.Ltmp1, $3  }
0x1e: {  	_ =	sdelay $0x1  }
0x1f: {  	[sflag:s14] =	ssyncset.done $0x0  }
0x20: {  	[sflag:s14] =	ssyncadd.s32 $0xFFFFD800  }
.LBB2_1:
0x21: {  	[dreg:$0x3] =	wrdreg s18  }
0x22: {  	s3 =	rddreg [dreg:$0x4]  }
0x23: {  	[spmem:s23], [sflag:s20] =	dma.local [hbm:s3], $0x2800  }
.Ltmp2:
0x24: {  	_ =	swait.ge [sflag:s14], $0x2800;
	(pc) =	sbr.rel .LBB2_2-.Ltmp2, $4  }
0x25: {  	[sflag:s14] =	ssyncset.done $0x0  }
0x26: {  	[sflag:s14] =	ssyncadd.s32 $0xFFFFD800  }
0x27: {  	[bflag:$0x0] =	sbarrier.arrive $0xFFFF  }
0x28: {  	s3 =	simm.s32 $0x0  }
.LBB2_5:
0x29: {  	s3 =	sadd.s32 $0x1, s3  }
0x2a: {  	p0 =	sne.s32 s3, $0x5  }
.Ltmp3:
0x2b: {  	_ = 	snop;
	(pc) =	sbr.rel @!p0 .LBB2_6-.Ltmp3, $4  }
0x2c: {  	_ = 	snop  }
0x2d: {  	_ =	swait.ge [sflag:s13], $0x2000  }
0x2e: {  	[sflag:s13] =	ssyncset.done $0x0  }
0x2f: {  	[sflag:s13] =	ssyncadd.s32 $0xFFFFE000  }
.LBB2_2:
0x30: {  	s18 =	sshll.u32 s3, $0x6  }
0x31: {  	s20 =	sadd.s32 s7, s18  }
0x32: {  	s18 =	sadd.s32 s10, s20  }
0x33: {  	s18 =	sshll.u32 s18, $0x4  }
0x34: {  	s23 =	sadd.s32 s5, s18;
	s18 =	simm.s32 $0x0  }
0x35: {  	[tilespmem:s18], [sflag:$0x9] =	stream.linear.gather [hbm4b:s23+s18], $0x2000, $0x38;
	v63 =	vld [tilespmem:$0x0]  }
0x36: {  	_ =	swait.ge [sflag:s14], $0x2000  }
0x37: {  	s20 =	sshll.u32 s20, $0x4;
	[sflag:s14] =	ssyncset.done $0x0  }
0x38: {  	s20 =	sadd.s32 s6, s20;
	[sflag:s14] =	ssyncadd.s32 $0xFFFFE000  }
0x39: {  	[tilespmem:s15], [sflag:$0x9] =	stream.linear.gather [hbm4b:s20+s18], $0x2000, $0x38;
	v63 =	vld [tilespmem:$0x0]  }
0x3a: {  	_ =	swait.ge [sflag:s14], $0x2000  }
0x3b: {  	[sflag:s14] =	ssyncset.done $0x0  }
0x3c: {  	[sflag:s14] =	ssyncadd.s32 $0xFFFFE000  }
0x3d: {  	[tilespmem:s17], [sflag:$0x1] =	stream.indirect.gather [hbm4b:s4+s16], $0x80, s18, s16, $0xb8;
	v63 =	vld [tilespmem:$0x0]  }
0x3e: {  	s29 =	simm.s32 $0x80  }
0x3f: {  	[tilespmem:s19], [sflag:$0x2] =	stream.indirect.gather [hbm4b:s4+s16], $0x80, s29, s16, $0xb8;
	v63 =	vld [tilespmem:$0x0]  }
0x40: {  	s31 =	simm.s32 $0x100  }
0x41: {  	[tilespmem:s21], [sflag:$0x3] =	stream.indirect.gather [hbm4b:s4+s16], $0x80, s31, s16, $0xb8;
	v63 =	vld [tilespmem:$0x0]  }
0x42: {  	_ =	swait.ge [sflag:s22], $0x2000  }
0x43: {  	[sflag:s22] =	ssyncset.done $0x0  }
0x44: {  	[sflag:s22] =	ssyncadd.s32 $0xFFFFE000  }
0x45: {  	[spmem:s1] =	stream.indirect.scatter.add.f32 [tilespmem:s17], [sflag:$0x5], $0x80, s15, s16, $0xb8;
	v63 =	vld [tilespmem:$0x0]  }
0x46: {  	s23 =	simm.s32 $0x180  }
0x47: {  	[tilespmem:s24], [sflag:$0x4] =	stream.indirect.gather [hbm4b:s4+s16], $0x80, s23, s16, $0xb8;
	v63 =	vld [tilespmem:$0x0]  }
0x48: {  	_ =	swait.ge [sflag:s25], $0x2000  }
0x49: {  	[sflag:s25] =	ssyncset.done $0x0  }
0x4a: {  	s26 =	simm.s32 $0x2080;
	[sflag:s25] =	ssyncadd.s32 $0xFFFFE000  }
0x4b: {  	[spmem:s1] =	stream.indirect.scatter.add.f32 [tilespmem:s19], [sflag:$0x6], $0x80, s26, s16, $0xb8;
	v63 =	vld [tilespmem:$0x0]  }
0x4c: {  	_ =	swait.ge [sflag:s28], $0x2000  }
0x4d: {  	[sflag:s28] =	ssyncset.done $0x0  }
0x4e: {  	s29 =	simm.s32 $0x200;
	[sflag:s28] =	ssyncadd.s32 $0xFFFFE000  }
0x4f: {  	[tilespmem:s17], [sflag:$0x1] =	stream.indirect.gather [hbm4b:s4+s16], $0x80, s29, s16, $0xb8;
	v63 =	vld [tilespmem:$0x0]  }
0x50: {  	_ =	swait.ge [sflag:s30], $0x2000  }
0x51: {  	[sflag:s30] =	ssyncset.done $0x0  }
0x52: {  	s31 =	simm.s32 $0x2100;
	[sflag:s30] =	ssyncadd.s32 $0xFFFFE000  }
0x53: {  	[spmem:s1] =	stream.indirect.scatter.add.f32 [tilespmem:s21], [sflag:$0x7], $0x80, s31, s16, $0xb8;
	v63 =	vld [tilespmem:$0x0]  }
0x54: {  	_ =	swait.ge [sflag:s0], $0x2000  }
0x55: {  	[sflag:s0] =	ssyncset.done $0x0  }
0x56: {  	[sflag:s0] =	ssyncadd.s32 $0xFFFFE000  }
0x57: {  	[tilespmem:s19], [sflag:$0x2] =	stream.indirect.gather [hbm4b:s4+s16], $0x80, s2, s16, $0xb8;
	v63 =	vld [tilespmem:$0x0]  }
0x58: {  	_ =	swait.ge [sflag:s8], $0x2000  }
0x59: {  	[sflag:s8] =	ssyncset.done $0x0  }
0x5a: {  	[sflag:s8] =	ssyncadd.s32 $0xFFFFE000  }
0x5b: {  	[spmem:s1] =	stream.indirect.scatter.add.f32 [tilespmem:s24], [sflag:$0x8], $0x80, s11, s16, $0xb8;
	v63 =	vld [tilespmem:$0x0]  }
0x5c: {  	_ =	swait.ge [sflag:s12], $0x2000  }
0x5d: {  	[sflag:s12] =	ssyncset.done $0x0  }
0x5e: {  	[sflag:s12] =	ssyncadd.s32 $0xFFFFE000  }
0x5f: {  	[tilespmem:s21], [sflag:$0x3] =	stream.indirect.gather [hbm4b:s4+s16], $0x80, s9, s16, $0xb8;
	v63 =	vld [tilespmem:$0x0]  }
.LBB2_3:
0x60: {  	_ =	swait.ge [sflag:s22], $0x2000  }
0x61: {  	s20 =	sshra.s32 s18, $0x2;
	[sflag:s22] =	ssyncset.done $0x0  }
0x62: {  	s23 =	sadd.s32 $0x2200, s20;
	[sflag:s22] =	ssyncadd.s32 $0xFFFFE000  }
0x63: {  	[spmem:s1] =	stream.indirect.scatter.add.f32 [tilespmem:s17], [sflag:$0x5], $0x80, s23, s16, $0xb8;
	v63 =	vld [tilespmem:$0x0]  }
0x64: {  	_ =	swait.ge [sflag:s13], $0x2000  }
0x65: {  	[sflag:s13] =	ssyncset.done $0x0  }
0x66: {  	s26 =	sadd.s32 $0x380, s20;
	[sflag:s13] =	ssyncadd.s32 $0xFFFFE000  }
0x67: {  	[tilespmem:s24], [sflag:$0x4] =	stream.indirect.gather [hbm4b:s4+s16], $0x80, s26, s16, $0xb8;
	v63 =	vld [tilespmem:$0x0]  }
0x68: {  	_ =	swait.ge [sflag:s25], $0x2000  }
0x69: {  	[sflag:s25] =	ssyncset.done $0x0  }
0x6a: {  	s29 =	sadd.s32 $0x2280, s20;
	[sflag:s25] =	ssyncadd.s32 $0xFFFFE000  }
0x6b: {  	[spmem:s1] =	stream.indirect.scatter.add.f32 [tilespmem:s19], [sflag:$0x6], $0x80, s29, s16, $0xb8;
	v63 =	vld [tilespmem:$0x0]  }
0x6c: {  	_ =	swait.ge [sflag:s28], $0x2000  }
0x6d: {  	p0 =	seq.s32 s18, $0x7000;
	[sflag:s28] =	ssyncset.done $0x0  }
0x6e: {  	s23 =	simm.s32 @p0 $0x3;
	[sflag:s28] =	ssyncadd.s32 $0xFFFFE000  }
0x6f: {  	_ =	swait.ge @p0 [sflag:s23], $0x2000  }
0x70: {  	[sflag:s23] =	ssyncset.done @p0 $0x0  }
0x71: {  	[sflag:s23] =	ssyncadd.s32 @p0 $0xFFFFE000;
	s23 =	sshra.s32 @p0 s18, $0x2  }
0x72: {  	s26 =	simm.s32 @p0 $0x40;
	s29 =	simm.s32 @p0 $0x8000;
	s23 =	sadd.s32 @p0 $0x2300, s23  }
0x73: {  	[spmem:s1] =	stream.indirect.scatter.add.f32 @p0 [tilespmem:s29], [sflag:$0x7], $0x80, s23, s26, $0xb8;
	v63 =	vld [tilespmem:$0x0]  }
0x74: {  	s23 =	simm.s32 @p0 $0x6  }
0x75: {  	_ =	swait.ge @p0 [sflag:s23], $0x2000  }
0x76: {  	[sflag:s23] =	ssyncset.done @p0 $0x0  }
0x77: {  	[sflag:s23] =	ssyncadd.s32 @p0 $0xFFFFE000;
	s23 =	sshra.s32 @!p0 s18, $0x2  }
0x78: {  	s31 =	simm.s32 @!p0 $0x4000;
	s29 =	simm.s32 @!p0 $0x40;
	s26 =	sadd.s32 @!p0 $0x400, s23  }
0x79: {  	[tilespmem:s31], [sflag:$0x1] =	stream.indirect.gather @!p0 [hbm4b:s4+s29], $0x80, s26, s29, $0xb8;
	v63 =	vld [tilespmem:$0x0]  }
0x7a: {  	s26 =	simm.s32 @!p0 $0x3  }
0x7b: {  	_ =	swait.ge @!p0 [sflag:s26], $0x2000  }
0x7c: {  	[sflag:s26] =	ssyncset.done @!p0 $0x0  }
0x7d: {  	s31 =	simm.s32 @!p0 $0x8000;
	[sflag:s26] =	ssyncadd.s32 @!p0 $0xFFFFE000;
	s26 =	sadd.s32 @!p0 $0x2300, s23  }
0x7e: {  	[spmem:s1] =	stream.indirect.scatter.add.f32 @!p0 [tilespmem:s31], [sflag:$0x7], $0x80, s26, s29, $0xb8;
	v63 =	vld [tilespmem:$0x0]  }
0x7f: {  	s26 =	simm.s32 @!p0 $0x6  }
0x80: {  	_ =	swait.ge @!p0 [sflag:s26], $0x2000  }
0x81: {  	[sflag:s26] =	ssyncset.done @!p0 $0x0  }
0x82: {  	s23 =	sadd.s32 @!p0 $0x480, s23;
	[sflag:s26] =	ssyncadd.s32 @!p0 $0xFFFFE000;
	s26 =	simm.s32 @!p0 $0x6000  }
0x83: {  	[tilespmem:s26], [sflag:$0x2] =	stream.indirect.gather @!p0 [hbm4b:s4+s29], $0x80, s23, s29, $0xb8;
	v63 =	vld [tilespmem:$0x0]  }
0x84: {  	_ =	swait.ge [sflag:s8], $0x2000  }
0x85: {  	[sflag:s8] =	ssyncset.done $0x0  }
.Ltmp4:
0x86: {  	s31 =	sadd.s32 $0x2380, s20;
	[sflag:s8] =	ssyncadd.s32 $0xFFFFE000;
	(pc) =	sbr.rel @p0 .LBB2_5-.Ltmp4, $4  }
0x87: {  	[spmem:s1] =	stream.indirect.scatter.add.f32 [tilespmem:s24], [sflag:$0x8], $0x80, s31, s16, $0xb8;
	v63 =	vld [tilespmem:$0x0]  }
0x88: {  	_ =	swait.ge [sflag:s12], $0x2000  }
0x89: {  	[sflag:s12] =	ssyncset.done $0x0  }
0x8a: {  	[sflag:s12] =	ssyncadd.s32 $0xFFFFE000  }
.Ltmp5:
0x8b: {  	(pc) =	sbr.rel .LBB2_3-.Ltmp5, $3  }
0x8c: {  	_ =	sdelay $0x1  }
0x8d: {  	s20 =	sadd.s32 $0x500, s20;
	s18 =	sadd.s32 $0x800, s18  }
0x8e: {  	[tilespmem:s21], [sflag:$0x3] =	stream.indirect.gather [hbm4b:s4+s16], $0x80, s20, s16, $0xb8;
	v63 =	vld [tilespmem:$0x0]  }
.LBB2_7:
0x8f: {  	_ =	sfence.sel $0x180000  }
0x90: {  	[bflag:$0x0] =	sbarrier.arrive $0xFFFF  }
0x91: {  	_ =	strace $0x9000004A  }
0x92: {  	s0 =	stileid.u32;
	[bflag:$0x2] =	sbarrier.arrive $0xFFFF  }
0x93: {  	p0 =	sne.s32 s0, $0x0;
	s0 =	rddreg [dreg:$0x2]  }
0x94: {  	s0 =	sadd.s32 @!p0 $0x100000, s0  }
0x95: {  	[sflag:s0] =	ssyncadd.tile.s32 @!p0 $0x1;
	_ =	shalt  }
.Lfunc_end2:
_tile_overlayer_lowered:
.L_overlay_start_2:
0x96: {  	(tag) =	ssettag $0x2  }
0x97: {  	s0 =	rddreg [dreg:$0x0];
	s2 =	stileid.u32  }
0x98: {  	s1 =	rddreg [dreg:$0x1];
	p0 =	sne.s32 s2, $0x0  }
0x99: {  	s3 =	rddreg [dreg:$0x2];
	[bflag:$0x3] =	sbarrier.arrive $0xFFFF;
	s2 =	simm.s32 @!p0 $0x1C09  }
0x9a: {  	[timem:s3], [sflag:s2] =	dma.local @!p0 [hbm:s0], s1  }
0x9b: {  	s0 =	simm.s32 @!p0 $0x9  }
0x9c: {  	_ =	swait.ge @!p0 [sflag:s0], s1  }
0x9d: {  	s1 =	ssub.s32 @!p0 $0x0, s1;
	[sflag:s0] =	ssyncset.done @!p0 $0x0  }
0x9e: {  	[sflag:s0] =	ssyncadd.s32 @!p0 s1  }
0x9f: {  	[bflag:$0x3] =	sbarrier.arrive $0xFFFF  }
0xa0: {  	_ =	shalt  }

// kernel: kernel.16.cloned.1.call-start
scs
__scs_entry_jumppad:
0x0: {  	(pc) =	sbr.rel $0x88, $3  }
0x1: {  	(tag) =	ssettag $0x0;
	lr =	simm.s32 $0x1  }
0x2: {  	[smem:$0x3F99] =	sst lr;
	_ =	strace $0xD0000000  }
0x3: {  	_ = 	snop  }
0x4: {  	_ = 	snop  }
0x5: {  	_ = 	snop  }
0x6: {  	_ = 	snop  }
0x7: {  	_ = 	snop  }
__scs_overlays_trampoline_lowered:
0x8: {  	[smem:$0x3FA8] =	sst s0  }
0x9: {  	[smem:$0x3FA9] =	sst s1  }
0xa: {  	[smem:$0x3FAA] =	sst s2  }
0xb: {  	[smem:$0x3FAB] =	sst s3  }
0xc: {  	[smem:$0x3FAC] =	sst s4  }
0xd: {  	[smem:$0x3FAD] =	sst s5  }
0xe: {  	[smem:$0x3FAE] =	sst s6  }
0xf: {  	[smem:$0x3FAF] =	sst s7  }
0x10: {  	[smem:$0x3FB0] =	sst s8  }
0x11: {  	[smem:$0x3FB1] =	sst s9;
	s0 =	simm.s32 @!p0 $0x0  }
0x12: {  	s1 =	sld [smem:$0x3F97];
	s0 =	simm.s32 @p0 $0x1  }
0x13: {  	[smem:$0x3FB2] =	sst s0;
	s0 =	simm.s32 @!p1 $0x0  }
0x14: {  	s2 =	sld [smem:$0x3F96];
	s0 =	simm.s32 @p1 $0x1  }
0x15: {  	[smem:$0x3FB3] =	sst s0;
	s0 =	simm.s32 @!p2 $0x0  }
0x16: {  	s3 =	sld [smem:$0x3FDB];
	s0 =	simm.s32 @p2 $0x1  }
0x17: {  	s4 =	simm.s32 $0x1BF5;
	[smem:$0x3FB5] =	sst s0  }
0x18: {  	s0 =	sld [smem:$0x3F98];
	_ =	swait.ge [sflag:s4], $0x0  }
0x19: {  	s7 =	sld [smem:$0x3F99]  }
0x1a: {  	s8 =	sadd.s32 $0xFFFFE003, lr  }
0x1b: {  	s9 =	sadd.s32 $0xFFFFFEF7, lr;
	s5 =	simm.s32 $0xFFFFFFFF;
	p2 =	slt.u32 s8, $0xFFFFF086  }
0x1c: {  	p1 =	slt.u32 s9, $0xF7A;
	s5 =	simm.s32 @!p2 $0x0  }
0x1d: {  	s5 =	simm.s32 @p1 $0x1;
	p0 =	seq.s32 s7, s2  }
0x1e: {  	s7 =	smul.u32 @!p0 $0xF7A, s2;
	p2 =	seq.s32 @!p0 s5, $0x0  }
0x1f: {  	s9 =	smul.u32 $0xF7A, s1;
	s8 =	simm.s32 @!p0 $0x1BF5;
	p2 =	por !p2, p0  }
0x20: {  	[sflag:s8] =	ssyncset.s32 @!p0 $0xFFFFF086;
	s6 =	sadd.s32 @!p0 s3, s7;
	s7 =	simm.s32 @!p0 $0x108  }
0x21: {  	s3 =	sadd.s32 s3, s9;
	s6 =	sadd.s32 @!p0 $0x88, s6;
	s7 =	simm.s32 @p2 $0x1082  }
0x22: {  	[simem:s7], [sflag:s8] =	dma.local @!p0 [hbm:s6], $0xF7A  }
0x23: {  	s9 =	sor.u32 $0xD0000000, s2;
	s6 =	simm.s32 $0x108;
	_ =	swait.ge @!p0 [sflag:s8], $0x0  }
0x24: {  	s3 =	sadd.s32 $0x88, s3;
	s6 =	simm.s32 @!p1 $0x1082;
	[sflag:s4] =	ssyncset.s32 $0xFFFFF086  }
0x25: {  	[simem:s6], [sflag:s4] =	dma.local [hbm:s3], $0xF7A  }
0x26: {  	[smem:$0x3F99] =	sst s1;
	(tag) =	ssettag s2;
	_ =	strace s9  }
0x27: {  	s1 =	sld [smem:$0x3FA9]  }
0x28: {  	s2 =	sld [smem:$0x3FAA]  }
0x29: {  	s4 =	sld [smem:$0x3FAC]  }
0x2a: {  	p0 =	seq.s32 s5, $0x0;
	s5 =	sld [smem:$0x3FAD]  }
0x2b: {  	s6 =	sld [smem:$0x3FAE]  }
0x2c: {  	s7 =	sld [smem:$0x3FAF]  }
0x2d: {  	s3 =	simm.s32 $0x108;
	s8 =	sld [smem:$0x3FB0]  }
0x2e: {  	s3 =	simm.s32 @!p0 $0x1082;
	s9 =	sld [smem:$0x3FB1]  }
0x2f: {  	lr =	sadd.s32 s0, s3;
	s0 =	sld [smem:$0x3FA8]  }
0x30: {  	s3 =	sld [smem:$0x3FAB]  }
0x31: {  	[smem:$0x3FB4] =	sst s10  }
0x32: {  	s10 =	sld [smem:$0x3FB2];
	_ =	sdelay $0x3  }
0x33: {  	p0 =	seq.s32 s10, $0x1;
	s10 =	sld [smem:$0x3FB4];
	_ =	sdelay $0x3  }
0x34: {  	[smem:$0x3FB4] =	sst s10  }
0x35: {  	s10 =	sld [smem:$0x3FB3];
	_ =	sdelay $0x3  }
0x36: {  	p1 =	seq.s32 s10, $0x1;
	s10 =	sld [smem:$0x3FB4];
	_ =	sdelay $0x3  }
0x37: {  	[smem:$0x3FB4] =	sst s10  }
0x38: {  	s10 =	sld [smem:$0x3FB5]  }
0x39: {  	_ = 	snop;
	(pc) =	sbr.ind lr, $3  }
0x3a: {  	_ = 	snop  }
0x3b: {  	_ = 	snop  }
0x3c: {  	p2 =	seq.s32 s10, $0x1;
	s10 =	sld [smem:$0x3FB4]  }
0x3d: {  	_ =	shalt  }
0x3e: {  	_ =	shalt  }
0x3f: {  	_ =	shalt  }
0x40: {  	_ =	shalt  }
0x41: {  	_ =	shalt  }
0x42: {  	_ =	shalt  }
0x43: {  	_ =	shalt  }
0x44: {  	_ =	shalt  }
0x45: {  	_ =	shalt  }
0x46: {  	_ =	shalt  }
0x47: {  	_ =	shalt  }
0x48: {  	_ =	shalt  }
0x49: {  	_ =	shalt  }
0x4a: {  	_ =	shalt  }
0x4b: {  	_ =	shalt  }
0x4c: {  	_ =	shalt  }
0x4d: {  	_ =	shalt  }
0x4e: {  	_ =	shalt  }
0x4f: {  	_ =	shalt  }
0x50: {  	_ =	shalt  }
0x51: {  	_ =	shalt  }
0x52: {  	_ =	shalt  }
0x53: {  	_ =	shalt  }
0x54: {  	_ =	shalt  }
0x55: {  	_ =	shalt  }
0x56: {  	_ =	shalt  }
0x57: {  	_ =	shalt  }
0x58: {  	_ =	shalt  }
0x59: {  	_ =	shalt  }
0x5a: {  	_ =	shalt  }
0x5b: {  	_ =	shalt  }
0x5c: {  	_ =	shalt  }
0x5d: {  	_ =	shalt  }
0x5e: {  	_ =	shalt  }
0x5f: {  	_ =	shalt  }
0x60: {  	_ =	shalt  }
0x61: {  	_ =	shalt  }
0x62: {  	_ =	shalt  }
0x63: {  	_ =	shalt  }
0x64: {  	_ =	shalt  }
0x65: {  	_ =	shalt  }
0x66: {  	_ =	shalt  }
0x67: {  	_ =	shalt  }
0x68: {  	_ =	shalt  }
0x69: {  	_ =	shalt  }
0x6a: {  	_ =	shalt  }
0x6b: {  	_ =	shalt  }
0x6c: {  	_ =	shalt  }
0x6d: {  	_ =	shalt  }
0x6e: {  	_ =	shalt  }
0x6f: {  	_ =	shalt  }
0x70: {  	_ =	shalt  }
0x71: {  	_ =	shalt  }
0x72: {  	_ =	shalt  }
0x73: {  	_ =	shalt  }
0x74: {  	_ =	shalt  }
0x75: {  	_ =	shalt  }
0x76: {  	_ =	shalt  }
0x77: {  	_ =	shalt  }
0x78: {  	_ =	shalt  }
0x79: {  	_ =	shalt  }
0x7a: {  	_ =	shalt  }
0x7b: {  	_ =	shalt  }
0x7c: {  	_ =	shalt  }
0x7d: {  	_ =	shalt  }
0x7e: {  	_ =	shalt  }
0x7f: {  	_ =	shalt  }
0x80: {  	_ =	shalt  }
0x81: {  	_ =	shalt  }
0x82: {  	_ =	shalt  }
0x83: {  	_ =	shalt  }
0x84: {  	_ =	shalt  }
0x85: {  	_ =	shalt  }
0x86: {  	_ =	shalt  }
0x87: {  	_ =	shalt  }
.Lfunc_end0:
.L_simem_size_0:
called_computation.2_lowered:
.L_overlay_start_0:
0x88: {  	s2 =	sld [smem:$0x3FD9]  }
0x89: {  	s3 =	sld [smem:$0x3FFE];
	_ =	sdelay $0x1  }
0x8a: {  	s1 =	srdreg.scid  }
0x8b: {  	s0 =	sand.u32 $0x1, s1  }
0x8c: {  	s16 =	sshll.u32 s0, $0xA;
	s2 =	sadd.s32 s3, s2  }
0x8d: {  	s2 =	sadd.s32 s2, s16  }
0x8e: {  	[smem:$0x3FC0] =	sst s2  }
0x8f: {  	_ = 	snop  }
0x90: {  	(tm) =	ssettm $0x1  }
0x91: {  	s17 =	sld [smem:$0x3FFB];
	_ =	sdelay $0x3  }
0x92: {  	_ =	strace s17  }
0x93: {  	s2 =	sld [smem:$0x3FFC];
	_ =	sdelay $0x3  }
0x94: {  	_ =	strace s2  }
0x95: {  	s2 =	sld [smem:$0x3FFD];
	_ =	sdelay $0x3  }
0x96: {  	_ =	strace s2  }
0x97: {  	_ =	strace $0x8FFFFFFF  }
0x98: {  	s18 =	sld [smem:$0x3FDB];
	_ =	sdelay $0x1  }
0x99: {  	s19 =	simm.s32 $_scs_section_size  }
0x9a: {  	s4 =	simm.s32 $_size__tile_overlayer_lowered;
	s5 =	simm.s32 $_tile_overlayer_lowered  }
0x9b: {  	s22 =	simm.s32 $0x1BFF;
	s21 =	sshll.u32 s5, $0x1;
	s2 =	sadd.s32 s19, s18  }
0x9c: {  	s6 =	simm.s32 $0x0;
	s20 =	sshll.u32 s4, $0x1;
	s4 =	sadd.s32 s21, s2  }
0x9d: {  	[timem:s6], [sflag:s22] =	dma.local [hbm:s4], s20  }
0x9e: {  	_ =	swait.ge [sflag:s22], s20  }
0x9f: {  	s3 =	ssub.s32 $0x0, s20;
	[sflag:s22] =	ssyncset.done $0x0  }
0xa0: {  	[sflag:s22] =	ssyncadd.s32 s3;
	_ =	sdelay $0x1  }
0xa1: {  	s23 =	simm.s32 $0x1B8B  }
0xa2: {  	_ =	swait.ge [sflag:s23], $0x1  }
0xa3: {  	[sflag:s23] =	ssyncset.done $0x0  }
0xa4: {  	s25 =	simm.s32 $0x1B8E;
	s24 =	sld [smem:$0x3FFE];
	[sflag:s23] =	ssyncadd.s32 $0xFFFFFFFF  }
0xa5: {  	s26 =	simm.s32 $execute0_lowered;
	[smem:$0x3FD2] =	sst s25  }
0xa6: {  	s4 =	sshll.u32 s26, $0x1;
	_ =	strace $0x8000004C;
	[dreg:$0x1] =	wrdreg $0xFFFFFFFF  }
0xa7: {  	s28 =	simm.s32 $_size_execute0_lowered;
	s2 =	sadd.s32 s2, s4;
	[dreg:$0x0] =	wrdreg $0x0  }
0xa8: {  	s4 =	sshll.u32 s28, $0x1;
	[dreg:$0x2] =	wrdreg s2  }
0xa9: {  	[dreg:$0x3] =	wrdreg s4  }
0xaa: {  	[dreg:$0x4] =	wrdreg $0xC0  }
0xab: {  	_ =	task [dreg:s6], $0x5FFFF  }
0xac: {  	[dreg:$0x1] =	wrdreg $0xFFFFFFFF  }
0xad: {  	[dreg:$0x0] =	wrdreg $0x60  }
0xae: {  	[dreg:$0x2] =	wrdreg s24  }
0xaf: {  	[dreg:$0x3] =	wrdreg $0xC0000  }
0xb0: {  	[dreg:$0x4] =	wrdreg $0x9  }
0xb1: {  	_ =	task.clear_ibuf [dreg:s6], $0x5FFFF;
	_ =	strace $0x9000004C  }
0xb2: {  	s29 =	simm.s32 $0x9;
	_ =	strace $0x8000004E  }
0xb3: {  	_ =	swait.ge [sflag:s29], $0x1  }
0xb4: {  	[sflag:s29] =	ssyncadd.s32 $0xFFFFFFFF  }
0xb5: {  	_ =	strace $0x9000004E  }
0xb6: {  	_ =	sfence  }
0xb7: {  	s30 =	sld [smem:$0x0];
	_ =	sdelay $0x2  }
0xb8: {  	s31 =	sshll.u32 s1, $0xD;
	s1 =	sshrl.u32 s1, $0x2  }
0xb9: {  	s3 =	sand.u32 $0x4000, s31;
	s1 =	sadd.s32 s1, s30  }
0xba: {  	s0 =	sor.u32 s3, s0;
	s1 =	sshll.u32 s1, $0x11  }
0xbb: {  	s0 =	sor.u32 s1, s0  }
0xbc: {  	s0 =	sadd.s32 $0x8F2B, s0  }
0xbd: {  	[sflag:s0] =	ssyncadd.remote.s32 $0x1  }
0xbe: {  	_ =	sfence.sel $0xFFFF  }
0xbf: {  	[dreg:$0x0] =	wrdreg $0xFFFFFFFF;
	(pc) =	sbr.abs _section_cstart, $3  }
0xc0: {  	[dreg:$0x1] =	wrdreg $0xFFFFFFFF  }
0xc1: {  	_ =	task.clear_ibuf [dreg:s6], $0x2FFFF;
	_ =	strace $0x9FFFFFFF  }
0xc2: {  	(tm) =	ssettm $0x7FFFFFFF  }
0xc3: {  	_ =	shalt  }
tec
execute0_lowered:
.L_overlay_start_1:
0x0: {  	(tag) =	ssettag $0x1  }
0x1: {  	s0 =	rddreg [dreg:$0x0]  }
0x2: {  	s1 =	rddreg [dreg:$0x1];
	s2 =	srdreg.scid  }
0x3: {  	s18 =	simm.s32 $0x0;
	s11 =	stileid.u32;
	s14 =	simm.s32 $0x9  }
0x4: {  	s15 =	simm.s32 $0x2000;
	s16 =	simm.s32 $0x40;
	s17 =	simm.s32 $0x4000  }
0x5: {  	s19 =	simm.s32 $0x6000;
	s21 =	simm.s32 $0x8000;
	s22 =	simm.s32 $0x1  }
0x6: {  	s24 =	simm.s32 $0xA000;
	s25 =	simm.s32 $0x2;
	s28 =	simm.s32 $0x5  }
0x7: {  	s30 =	simm.s32 $0x3;
	s12 =	simm.s32 $0x7;
	s13 =	simm.s32 $0x8  }
0x8: {  	s2 =	sand.u32 $0x1, s2;
	[smem:$0x7FF] =	sst s18;
	s6 =	smul.u32 $0x280, s11  }
0x9: {  	s4 =	sadd.s32 $0x3E000, s0;
	s5 =	sadd.s32 $0x16000, s0;
	s8 =	smul.u32 $0x50000, s11  }
0xa: {  	s10 =	sshll.u32 s11, $0x6;
	s3 =	smul.u32 $0x2800, s2;
	_ =	strace $0x8000004D  }
0xb: {  	s7 =	ssub.s32 $0x2, s2;
	s20 =	sor.u32 $0x1C09, s10;
	s10 =	smul.u32 $0x1400, s2  }
0xc: {  	s2 =	simm.s32 $0x280;
	s9 =	sshrl.u32 s7, $0x1;
	s29 =	sshrl.u32 s8, $0x2  }
0xd: {  	[dreg:$0x5] =	wrdreg s20;
	s3 =	sadd.s32 s6, s3;
	s6 =	sadd.s32 $0x2000, s0  }
0xe: {  	s9 =	ssub.s32 s7, s9;
	s8 =	sadd.s32 s29, s1;
	s7 =	smul.u32 $0x140, s11  }
.Ltmp0:
0xf: {  	s11 =	simm.s32 $0x2180;
	s31 =	smax.u32 s9, $0x1;
	(pc) =	sbr.rel .LBB2_1-.Ltmp0, $4  }
0x10: {  	s3 =	sshll.u32 s3, $0x4;
	s23 =	sshrl.u32 s8, $0x3;
	[dreg:$0x7] =	wrdreg s31  }
0x11: {  	s0 =	sadd.s32 s3, s0;
	s3 =	sadd.s32 s4, s3;
	[dreg:$0x8] =	wrdreg s23  }
0x12: {  	s8 =	simm.s32 $0x4;
	[dreg:$0x4] =	wrdreg s3;
	s0 =	sadd.s32 $0x8E000, s0  }
0x13: {  	s9 =	simm.s32 $0x300;
	[dreg:$0x6] =	wrdreg s0;
	s0 =	simm.s32 $0x6  }
.LBB2_6:
0x14: {  	[bflag:$0x0] =	sbarrier.arrive $0xFFFF  }
0x15: {  	s20 =	rddreg [dreg:$0x5]  }
0x16: {  	s3 =	rddreg [dreg:$0x6]  }
0x17: {  	s23 =	rddreg [dreg:$0x8]  }
0x18: {  	[hbm:s3], [sflag:s20] =	dma.local [spmem:s23], $0x2800  }
0x19: {  	_ =	swait.ge [sflag:s14], $0x2800  }
0x1a: {  	s18 =	rddreg [dreg:$0x3]  }
0x1b: {  	s31 =	rddreg [dreg:$0x7];
	s18 =	sadd.s32 $0x1, s18  }
0x1c: {  	p0 =	sne.s32 s18, s31  }
.Ltmp1:
0x1d: {  	_ = 	snop;
	(pc) =	sbr.rel @!p0 .LBB2_7-.Ltmp1, $3  }
0x1e: {  	_ =	sdelay $0x1  }
0x1f: {  	[sflag:s14] =	ssyncset.done $0x0  }
0x20: {  	[sflag:s14] =	ssyncadd.s32 $0xFFFFD800  }
.LBB2_1:
0x21: {  	[dreg:$0x3] =	wrdreg s18  }
0x22: {  	s3 =	rddreg [dreg:$0x4]  }
0x23: {  	[spmem:s23], [sflag:s20] =	dma.local [hbm:s3], $0x2800  }
.Ltmp2:
0x24: {  	_ =	swait.ge [sflag:s14], $0x2800;
	(pc) =	sbr.rel .LBB2_2-.Ltmp2, $4  }
0x25: {  	[sflag:s14] =	ssyncset.done $0x0  }
0x26: {  	[sflag:s14] =	ssyncadd.s32 $0xFFFFD800  }
0x27: {  	[bflag:$0x0] =	sbarrier.arrive $0xFFFF  }
0x28: {  	s3 =	simm.s32 $0x0  }
.LBB2_5:
0x29: {  	s3 =	sadd.s32 $0x1, s3  }
0x2a: {  	p0 =	sne.s32 s3, $0x5  }
.Ltmp3:
0x2b: {  	_ = 	snop;
	(pc) =	sbr.rel @!p0 .LBB2_6-.Ltmp3, $4  }
0x2c: {  	_ = 	snop  }
0x2d: {  	_ =	swait.ge [sflag:s13], $0x2000  }
0x2e: {  	[sflag:s13] =	ssyncset.done $0x0  }
0x2f: {  	[sflag:s13] =	ssyncadd.s32 $0xFFFFE000  }
.LBB2_2:
0x30: {  	s18 =	sshll.u32 s3, $0x6  }
0x31: {  	s20 =	sadd.s32 s7, s18  }
0x32: {  	s18 =	sadd.s32 s10, s20  }
0x33: {  	s18 =	sshll.u32 s18, $0x4  }
0x34: {  	s23 =	sadd.s32 s5, s18;
	s18 =	simm.s32 $0x0  }
0x35: {  	[tilespmem:s18], [sflag:$0x9] =	stream.linear.gather [hbm4b:s23+s18], $0x2000, $0x38;
	v63 =	vld [tilespmem:$0x0]  }
0x36: {  	_ =	swait.ge [sflag:s14], $0x2000  }
0x37: {  	s20 =	sshll.u32 s20, $0x4;
	[sflag:s14] =	ssyncset.done $0x0  }
0x38: {  	s20 =	sadd.s32 s6, s20;
	[sflag:s14] =	ssyncadd.s32 $0xFFFFE000  }
0x39: {  	[tilespmem:s15], [sflag:$0x9] =	stream.linear.gather [hbm4b:s20+s18], $0x2000, $0x38;
	v63 =	vld [tilespmem:$0x0]  }
0x3a: {  	_ =	swait.ge [sflag:s14], $0x2000  }
0x3b: {  	[sflag:s14] =	ssyncset.done $0x0  }
0x3c: {  	[sflag:s14] =	ssyncadd.s32 $0xFFFFE000  }
0x3d: {  	[tilespmem:s17], [sflag:$0x1] =	stream.indirect.gather [hbm4b:s4+s16], $0x80, s18, s16, $0xb8;
	v63 =	vld [tilespmem:$0x0]  }
0x3e: {  	s29 =	simm.s32 $0x80  }
0x3f: {  	[tilespmem:s19], [sflag:$0x2] =	stream.indirect.gather [hbm4b:s4+s16], $0x80, s29, s16, $0xb8;
	v63 =	vld [tilespmem:$0x0]  }
0x40: {  	s31 =	simm.s32 $0x100  }
0x41: {  	[tilespmem:s21], [sflag:$0x3] =	stream.indirect.gather [hbm4b:s4+s16], $0x80, s31, s16, $0xb8;
	v63 =	vld [tilespmem:$0x0]  }
0x42: {  	_ =	swait.ge [sflag:s22], $0x2000  }
0x43: {  	[sflag:s22] =	ssyncset.done $0x0  }
0x44: {  	[sflag:s22] =	ssyncadd.s32 $0xFFFFE000  }
0x45: {  	[spmem:s1] =	stream.indirect.scatter.add.f32 [tilespmem:s17], [sflag:$0x5], $0x80, s15, s16, $0xb8;
	v63 =	vld [tilespmem:$0x0]  }
0x46: {  	s23 =	simm.s32 $0x180  }
0x47: {  	[tilespmem:s24], [sflag:$0x4] =	stream.indirect.gather [hbm4b:s4+s16], $0x80, s23, s16, $0xb8;
	v63 =	vld [tilespmem:$0x0]  }
0x48: {  	_ =	swait.ge [sflag:s25], $0x2000  }
0x49: {  	[sflag:s25] =	ssyncset.done $0x0  }
0x4a: {  	s26 =	simm.s32 $0x2080;
	[sflag:s25] =	ssyncadd.s32 $0xFFFFE000  }
0x4b: {  	[spmem:s1] =	stream.indirect.scatter.add.f32 [tilespmem:s19], [sflag:$0x6], $0x80, s26, s16, $0xb8;
	v63 =	vld [tilespmem:$0x0]  }
0x4c: {  	_ =	swait.ge [sflag:s28], $0x2000  }
0x4d: {  	[sflag:s28] =	ssyncset.done $0x0  }
0x4e: {  	s29 =	simm.s32 $0x200;
	[sflag:s28] =	ssyncadd.s32 $0xFFFFE000  }
0x4f: {  	[tilespmem:s17], [sflag:$0x1] =	stream.indirect.gather [hbm4b:s4+s16], $0x80, s29, s16, $0xb8;
	v63 =	vld [tilespmem:$0x0]  }
0x50: {  	_ =	swait.ge [sflag:s30], $0x2000  }
0x51: {  	[sflag:s30] =	ssyncset.done $0x0  }
0x52: {  	s31 =	simm.s32 $0x2100;
	[sflag:s30] =	ssyncadd.s32 $0xFFFFE000  }
0x53: {  	[spmem:s1] =	stream.indirect.scatter.add.f32 [tilespmem:s21], [sflag:$0x7], $0x80, s31, s16, $0xb8;
	v63 =	vld [tilespmem:$0x0]  }
0x54: {  	_ =	swait.ge [sflag:s0], $0x2000  }
0x55: {  	[sflag:s0] =	ssyncset.done $0x0  }
0x56: {  	[sflag:s0] =	ssyncadd.s32 $0xFFFFE000  }
0x57: {  	[tilespmem:s19], [sflag:$0x2] =	stream.indirect.gather [hbm4b:s4+s16], $0x80, s2, s16, $0xb8;
	v63 =	vld [tilespmem:$0x0]  }
0x58: {  	_ =	swait.ge [sflag:s8], $0x2000  }
0x59: {  	[sflag:s8] =	ssyncset.done $0x0  }
0x5a: {  	[sflag:s8] =	ssyncadd.s32 $0xFFFFE000  }
0x5b: {  	[spmem:s1] =	stream.indirect.scatter.add.f32 [tilespmem:s24], [sflag:$0x8], $0x80, s11, s16, $0xb8;
	v63 =	vld [tilespmem:$0x0]  }
0x5c: {  	_ =	swait.ge [sflag:s12], $0x2000  }
0x5d: {  	[sflag:s12] =	ssyncset.done $0x0  }
0x5e: {  	[sflag:s12] =	ssyncadd.s32 $0xFFFFE000  }
0x5f: {  	[tilespmem:s21], [sflag:$0x3] =	stream.indirect.gather [hbm4b:s4+s16], $0x80, s9, s16, $0xb8;
	v63 =	vld [tilespmem:$0x0]  }
.LBB2_3:
0x60: {  	_ =	swait.ge [sflag:s22], $0x2000  }
0x61: {  	s20 =	sshra.s32 s18, $0x2;
	[sflag:s22] =	ssyncset.done $0x0  }
0x62: {  	s23 =	sadd.s32 $0x2200, s20;
	[sflag:s22] =	ssyncadd.s32 $0xFFFFE000  }
0x63: {  	[spmem:s1] =	stream.indirect.scatter.add.f32 [tilespmem:s17], [sflag:$0x5], $0x80, s23, s16, $0xb8;
	v63 =	vld [tilespmem:$0x0]  }
0x64: {  	_ =	swait.ge [sflag:s13], $0x2000  }
0x65: {  	[sflag:s13] =	ssyncset.done $0x0  }
0x66: {  	s26 =	sadd.s32 $0x380, s20;
	[sflag:s13] =	ssyncadd.s32 $0xFFFFE000  }
0x67: {  	[tilespmem:s24], [sflag:$0x4] =	stream.indirect.gather [hbm4b:s4+s16], $0x80, s26, s16, $0xb8;
	v63 =	vld [tilespmem:$0x0]  }
0x68: {  	_ =	swait.ge [sflag:s25], $0x2000  }
0x69: {  	[sflag:s25] =	ssyncset.done $0x0  }
0x6a: {  	s29 =	sadd.s32 $0x2280, s20;
	[sflag:s25] =	ssyncadd.s32 $0xFFFFE000  }
0x6b: {  	[spmem:s1] =	stream.indirect.scatter.add.f32 [tilespmem:s19], [sflag:$0x6], $0x80, s29, s16, $0xb8;
	v63 =	vld [tilespmem:$0x0]  }
0x6c: {  	_ =	swait.ge [sflag:s28], $0x2000  }
0x6d: {  	p0 =	seq.s32 s18, $0x7000;
	[sflag:s28] =	ssyncset.done $0x0  }
0x6e: {  	s23 =	simm.s32 @p0 $0x3;
	[sflag:s28] =	ssyncadd.s32 $0xFFFFE000  }
0x6f: {  	_ =	swait.ge @p0 [sflag:s23], $0x2000  }
0x70: {  	[sflag:s23] =	ssyncset.done @p0 $0x0  }
0x71: {  	[sflag:s23] =	ssyncadd.s32 @p0 $0xFFFFE000;
	s23 =	sshra.s32 @p0 s18, $0x2  }
0x72: {  	s26 =	simm.s32 @p0 $0x40;
	s29 =	simm.s32 @p0 $0x8000;
	s23 =	sadd.s32 @p0 $0x2300, s23  }
0x73: {  	[spmem:s1] =	stream.indirect.scatter.add.f32 @p0 [tilespmem:s29], [sflag:$0x7], $0x80, s23, s26, $0xb8;
	v63 =	vld [tilespmem:$0x0]  }
0x74: {  	s23 =	simm.s32 @p0 $0x6  }
0x75: {  	_ =	swait.ge @p0 [sflag:s23], $0x2000  }
0x76: {  	[sflag:s23] =	ssyncset.done @p0 $0x0  }
0x77: {  	[sflag:s23] =	ssyncadd.s32 @p0 $0xFFFFE000;
	s23 =	sshra.s32 @!p0 s18, $0x2  }
0x78: {  	s31 =	simm.s32 @!p0 $0x4000;
	s29 =	simm.s32 @!p0 $0x40;
	s26 =	sadd.s32 @!p0 $0x400, s23  }
0x79: {  	[tilespmem:s31], [sflag:$0x1] =	stream.indirect.gather @!p0 [hbm4b:s4+s29], $0x80, s26, s29, $0xb8;
	v63 =	vld [tilespmem:$0x0]  }
0x7a: {  	s26 =	simm.s32 @!p0 $0x3  }
0x7b: {  	_ =	swait.ge @!p0 [sflag:s26], $0x2000  }
0x7c: {  	[sflag:s26] =	ssyncset.done @!p0 $0x0  }
0x7d: {  	s31 =	simm.s32 @!p0 $0x8000;
	[sflag:s26] =	ssyncadd.s32 @!p0 $0xFFFFE000;
	s26 =	sadd.s32 @!p0 $0x2300, s23  }
0x7e: {  	[spmem:s1] =	stream.indirect.scatter.add.f32 @!p0 [tilespmem:s31], [sflag:$0x7], $0x80, s26, s29, $0xb8;
	v63 =	vld [tilespmem:$0x0]  }
0x7f: {  	s26 =	simm.s32 @!p0 $0x6  }
0x80: {  	_ =	swait.ge @!p0 [sflag:s26], $0x2000  }
0x81: {  	[sflag:s26] =	ssyncset.done @!p0 $0x0  }
0x82: {  	s23 =	sadd.s32 @!p0 $0x480, s23;
	[sflag:s26] =	ssyncadd.s32 @!p0 $0xFFFFE000;
	s26 =	simm.s32 @!p0 $0x6000  }
0x83: {  	[tilespmem:s26], [sflag:$0x2] =	stream.indirect.gather @!p0 [hbm4b:s4+s29], $0x80, s23, s29, $0xb8;
	v63 =	vld [tilespmem:$0x0]  }
0x84: {  	_ =	swait.ge [sflag:s8], $0x2000  }
0x85: {  	[sflag:s8] =	ssyncset.done $0x0  }
.Ltmp4:
0x86: {  	s31 =	sadd.s32 $0x2380, s20;
	[sflag:s8] =	ssyncadd.s32 $0xFFFFE000;
	(pc) =	sbr.rel @p0 .LBB2_5-.Ltmp4, $4  }
0x87: {  	[spmem:s1] =	stream.indirect.scatter.add.f32 [tilespmem:s24], [sflag:$0x8], $0x80, s31, s16, $0xb8;
	v63 =	vld [tilespmem:$0x0]  }
0x88: {  	_ =	swait.ge [sflag:s12], $0x2000  }
0x89: {  	[sflag:s12] =	ssyncset.done $0x0  }
0x8a: {  	[sflag:s12] =	ssyncadd.s32 $0xFFFFE000  }
.Ltmp5:
0x8b: {  	(pc) =	sbr.rel .LBB2_3-.Ltmp5, $3  }
0x8c: {  	_ =	sdelay $0x1  }
0x8d: {  	s20 =	sadd.s32 $0x500, s20;
	s18 =	sadd.s32 $0x800, s18  }
0x8e: {  	[tilespmem:s21], [sflag:$0x3] =	stream.indirect.gather [hbm4b:s4+s16], $0x80, s20, s16, $0xb8;
	v63 =	vld [tilespmem:$0x0]  }
.LBB2_7:
0x8f: {  	_ =	sfence.sel $0x180000  }
0x90: {  	[bflag:$0x0] =	sbarrier.arrive $0xFFFF  }
0x91: {  	_ =	strace $0x9000004D  }
0x92: {  	s0 =	stileid.u32;
	[bflag:$0x2] =	sbarrier.arrive $0xFFFF  }
0x93: {  	p0 =	sne.s32 s0, $0x0;
	s0 =	rddreg [dreg:$0x2]  }
0x94: {  	s0 =	sadd.s32 @!p0 $0x100000, s0  }
0x95: {  	[sflag:s0] =	ssyncadd.tile.s32 @!p0 $0x1;
	_ =	shalt  }
.Lfunc_end2:
_tile_overlayer_lowered:
.L_overlay_start_2:
0x96: {  	(tag) =	ssettag $0x2  }
0x97: {  	s0 =	rddreg [dreg:$0x0];
	s2 =	stileid.u32  }
0x98: {  	s1 =	rddreg [dreg:$0x1];
	p0 =	sne.s32 s2, $0x0  }
0x99: {  	s3 =	rddreg [dreg:$0x2];
	[bflag:$0x3] =	sbarrier.arrive $0xFFFF;
	s2 =	simm.s32 @!p0 $0x1C09  }
0x9a: {  	[timem:s3], [sflag:s2] =	dma.local @!p0 [hbm:s0], s1  }
0x9b: {  	s0 =	simm.s32 @!p0 $0x9  }
0x9c: {  	_ =	swait.ge @!p0 [sflag:s0], s1  }
0x9d: {  	s1 =	ssub.s32 @!p0 $0x0, s1;
	[sflag:s0] =	ssyncset.done @!p0 $0x0  }
0x9e: {  	[sflag:s0] =	ssyncadd.s32 @!p0 s1  }
0x9f: {  	[bflag:$0x3] =	sbarrier.arrive $0xFFFF  }
0xa0: {  	_ =	shalt  }

</sc_bundles>
